<compile_context>
chip_gen: v7x
topology: tpu7x:2x2x1
jax: 0.10.2.dev20260603
libtpu: 0.0.44.dev20260713+nightly
codegen_flags: <defaults>
</compile_context>

<pallas_src>
import functools

import jax
import jax.numpy as jnp
from jax import lax
from jax.experimental import pallas as pl
from jax.experimental.pallas import tpu as pltpu
from jax.experimental.pallas import tpu_sc as plsc

V = 1000000
D = 64
B = 16384

NC, NS, L = 2, 16, 16
NW = NC * NS
BPW = B // NW
NBLK = BPW // L


def _body(wi_i_hbm, wi_j_hbm, wi_hbm, wj_hbm, bi_hbm, bj_hbm, out_hbm,
          idx_i, idx_j, rows_i, rows_j, bv_i, bv_j, out_v, sem):
    wid = lax.axis_index("s") * NC + lax.axis_index("c")
    base = wid * BPW

    pltpu.sync_copy(wi_i_hbm.at[pl.ds(base, BPW)], idx_i)
    pltpu.sync_copy(wi_j_hbm.at[pl.ds(base, BPW)], idx_j)

    c1 = pltpu.async_copy(wi_hbm.at[idx_i], rows_i, sem)
    c2 = pltpu.async_copy(wj_hbm.at[idx_j], rows_j, sem)
    c3 = pltpu.async_copy(bi_hbm.at[idx_i], bv_i, sem)
    c4 = pltpu.async_copy(bj_hbm.at[idx_j], bv_j, sem)
    c1.wait()
    c2.wait()
    c3.wait()
    c4.wait()

    iota = lax.iota(jnp.int32, L)

    def block(b, carry):
        r0 = b * L
        acc = jnp.zeros((L,), jnp.float32)
        for r in range(L):
            row = r0 + r
            ri = rows_i.at[row]
            rj = rows_j.at[row]
            s = ri[pl.ds(0, L)] * rj[pl.ds(0, L)]
            for c in range(1, D // L):
                s = s + ri[pl.ds(c * L, L)] * rj[pl.ds(c * L, L)]
            acc = jnp.where(iota == r, jnp.sum(s), acc)
        acc = acc + bv_i[pl.ds(r0, L)] + bv_j[pl.ds(r0, L)]
        out_v[pl.ds(r0, L)] = acc
        return carry

    lax.fori_loop(0, NBLK, block, 0, unroll=False)

    pltpu.sync_copy(out_v, out_hbm.at[pl.ds(base, BPW)])


@functools.partial(jax.jit, static_argnames=())
def kernel(word_i, word_j, wi, wj, bi, bj):
    mesh = plsc.VectorSubcoreMesh(core_axis_name="c", subcore_axis_name="s")
    k = pl.kernel(
        _body,
        out_type=jax.ShapeDtypeStruct((B,), jnp.float32),
        mesh=mesh,
        compiler_params=pltpu.CompilerParams(
            needs_layout_passes=False, use_tc_tiling_on_sc=False),
        scratch_types=[
            pltpu.VMEM((BPW,), jnp.int32),
            pltpu.VMEM((BPW,), jnp.int32),
            pltpu.VMEM((BPW, D), jnp.float32),
            pltpu.VMEM((BPW, D), jnp.float32),
            pltpu.VMEM((BPW,), jnp.float32),
            pltpu.VMEM((BPW,), jnp.float32),
            pltpu.VMEM((BPW,), jnp.float32),
            pltpu.SemaphoreType.DMA,
        ],
    )
    return k(word_i.astype(jnp.int32), word_j.astype(jnp.int32), wi, wj,
             bi.reshape(V), bj.reshape(V))

# --- scband reference (transcript-rebuilt; emitter-appended) ---
"""Pipeline reference for scband-glove-model-8186207666214 (READ-ONLY COPY).

The authoritative reference and input builder live on the scoring server;
editing this copy changes nothing except your own understanding.
"""

import jax, jax.numpy as jnp
import numpy as np

V = 1000000
D = 64
B = 16384

def setup_inputs(seed: int = 0) -> dict:
    key = jax.random.key(seed)
    k1, k2, k3, k4, k5, k6 = jax.random.split(key, 6)
    return {
        "word_i": jax.random.randint(k1, (B,), 0, V, dtype=jnp.int64) if jax.config.jax_enable_x64 else jax.random.randint(k1, (B,), 0, V, dtype=jnp.int32),
        "word_j": jax.random.randint(k2, (B,), 0, V, dtype=jnp.int64) if jax.config.jax_enable_x64 else jax.random.randint(k2, (B,), 0, V, dtype=jnp.int32),
        "wi": jax.random.normal(k3, (V, D), dtype=jnp.float32) * 0.02,
        "wj": jax.random.normal(k4, (V, D), dtype=jnp.float32) * 0.02,
        "bi": jax.random.normal(k5, (V, 1), dtype=jnp.float32) * 0.02,
        "bj": jax.random.normal(k6, (V, 1), dtype=jnp.float32) * 0.02,
    }

def reference(word_i, word_j, wi, wj, bi, bj):
    # Embedding lookups (gather)
    wi_v = jnp.take(wi, word_i, axis=0)            # [B, D]
    wj_v = jnp.take(wj, word_j, axis=0)            # [B, D]
    bi_v = jnp.take(bi, word_i, axis=0)[:, 0]      # [B]  (squeeze(-1))
    bj_v = jnp.take(bj, word_j, axis=0)[:, 0]      # [B]
    dot = jnp.sum(wi_v * wj_v, axis=1)             # [B]
    pred = dot + bi_v + bj_v
    return pred

if __name__ == "__main__":
    import jax
    _d = setup_inputs()
    print(jax.jit(kernel)(*tuple(_d.values())))

</pallas_src>

<mosaic_0001>
#map = affine_map<(d0, d1) -> (0)>
#map1 = affine_map<(d0, d1) -> (0, 0)>
module attributes {stable_mosaic.version = 14 : i64} {
  func.func @_body(%arg0: i32, %arg1: i32, %arg2: memref<16384xi32, #tpu.memory_space<hbm>>, %arg3: memref<16384xi32, #tpu.memory_space<hbm>>, %arg4: memref<1000000x64xf32, #tpu.memory_space<hbm>>, %arg5: memref<1000000x64xf32, #tpu.memory_space<hbm>>, %arg6: memref<1000000xf32, #tpu.memory_space<hbm>>, %arg7: memref<1000000xf32, #tpu.memory_space<hbm>>, %arg8: memref<16384xf32, #tpu.memory_space<hbm>>, %arg9: memref<512xi32, #tpu.memory_space<vmem>>, %arg10: memref<512xi32, #tpu.memory_space<vmem>>, %arg11: memref<512x64xf32, #tpu.memory_space<vmem>>, %arg12: memref<512x64xf32, #tpu.memory_space<vmem>>, %arg13: memref<512xf32, #tpu.memory_space<vmem>>, %arg14: memref<512xf32, #tpu.memory_space<vmem>>, %arg15: memref<512xf32, #tpu.memory_space<vmem>>, %arg16: memref<!tpu.dma_semaphore, #tpu.memory_space<semaphore_mem>>) attributes {dimension_semantics = [#tpu.dimension_semantics<core_parallel>, #tpu.dimension_semantics<subcore_parallel>], iteration_bounds = array<i64: 2, 16>, scalar_prefetch = 0 : i64, scratch_operands = 8 : i64, tpu.core_type = #tpu.core_type<sc_vector_subcore>, window_params = [{transform_indices = #map}, {transform_indices = #map}, {transform_indices = #map1}, {transform_indices = #map1}, {transform_indices = #map}, {transform_indices = #map}, {transform_indices = #map}]} {
    %mul3A = arith.constant 2 : i32
    %mul3A_0 = arith.muli %arg1, %mul3A : i32
    %add3A = arith.addi %mul3A_0, %arg0 : i32
    %mul3A_1 = arith.constant 512 : i32
    %mul3A_2 = arith.muli %add3A, %mul3A_1 : i32
    "tpu.region"() ({
      %run_scoped3A = tpu.sem_alloc : memref<!tpu.dma_semaphore, #tpu.memory_space<semaphore_mem>>
      %dma_start3A_26 = tpu.memref_slice %arg2[%mul3A_2] : memref<16384xi32, #tpu.memory_space<hbm>> -> memref<512xi32, #tpu.memory_space<hbm>>
      %dma_start3A_27 = tpu.memref_slice %arg2[%mul3A_2] : memref<16384xi32, #tpu.memory_space<hbm>> -> memref<512xi32, #tpu.memory_space<hbm>>
      tpu.enqueue_dma source(%dma_start3A_27 : memref<512xi32, #tpu.memory_space<hbm>>) target(%arg9 : memref<512xi32, #tpu.memory_space<vmem>>) target_semaphore(%run_scoped3A : memref<!tpu.dma_semaphore, #tpu.memory_space<semaphore_mem>>)
      %dma_wait3A_28 = tpu.memref_slice %arg2[%mul3A_2] : memref<16384xi32, #tpu.memory_space<hbm>> -> memref<512xi32, #tpu.memory_space<hbm>>
      %dma_wait3A_29 = tpu.memref_slice %arg2[%mul3A_2] : memref<16384xi32, #tpu.memory_space<hbm>> -> memref<512xi32, #tpu.memory_space<hbm>>
      tpu.wait_dma2 semaphore(%run_scoped3A : memref<!tpu.dma_semaphore, #tpu.memory_space<semaphore_mem>>) src(%dma_wait3A_29 : memref<512xi32, #tpu.memory_space<hbm>>) dst(%arg9 : memref<512xi32, #tpu.memory_space<vmem>>)
      tpu.yield
    }) : () -> ()
    "tpu.region"() ({
      %run_scoped3A = tpu.sem_alloc : memref<!tpu.dma_semaphore, #tpu.memory_space<semaphore_mem>>
      %dma_start3A_26 = tpu.memref_slice %arg3[%mul3A_2] : memref<16384xi32, #tpu.memory_space<hbm>> -> memref<512xi32, #tpu.memory_space<hbm>>
      %dma_start3A_27 = tpu.memref_slice %arg3[%mul3A_2] : memref<16384xi32, #tpu.memory_space<hbm>> -> memref<512xi32, #tpu.memory_space<hbm>>
      tpu.enqueue_dma source(%dma_start3A_27 : memref<512xi32, #tpu.memory_space<hbm>>) target(%arg10 : memref<512xi32, #tpu.memory_space<vmem>>) target_semaphore(%run_scoped3A : memref<!tpu.dma_semaphore, #tpu.memory_space<semaphore_mem>>)
      %dma_wait3A_28 = tpu.memref_slice %arg3[%mul3A_2] : memref<16384xi32, #tpu.memory_space<hbm>> -> memref<512xi32, #tpu.memory_space<hbm>>
      %dma_wait3A_29 = tpu.memref_slice %arg3[%mul3A_2] : memref<16384xi32, #tpu.memory_space<hbm>> -> memref<512xi32, #tpu.memory_space<hbm>>
      tpu.wait_dma2 semaphore(%run_scoped3A : memref<!tpu.dma_semaphore, #tpu.memory_space<semaphore_mem>>) src(%dma_wait3A_29 : memref<512xi32, #tpu.memory_space<hbm>>) dst(%arg10 : memref<512xi32, #tpu.memory_space<vmem>>)
      tpu.yield
    }) : () -> ()
    %dma_start3A = arith.constant 0 : i32
    %dma_start3A_3 = arith.constant 0 : i32
    %dma_start3A_4 = tpu.memref_slice %arg4[%dma_start3A, %dma_start3A_3] : memref<1000000x64xf32, #tpu.memory_space<hbm>> -> memref<1000000x64xf32, #tpu.memory_space<hbm>>
    tpu.enqueue_indirect_dma source(%dma_start3A_4 : memref<1000000x64xf32, #tpu.memory_space<hbm>>) target(%arg11 : memref<512x64xf32, #tpu.memory_space<vmem>>) offsets(%arg9 : memref<512xi32, #tpu.memory_space<vmem>>) semaphore(%arg16 : memref<!tpu.dma_semaphore, #tpu.memory_space<semaphore_mem>>)
    %dma_start3A_5 = arith.constant 0 : i32
    %dma_start3A_6 = arith.constant 0 : i32
    %dma_start3A_7 = tpu.memref_slice %arg5[%dma_start3A_5, %dma_start3A_6] : memref<1000000x64xf32, #tpu.memory_space<hbm>> -> memref<1000000x64xf32, #tpu.memory_space<hbm>>
    tpu.enqueue_indirect_dma source(%dma_start3A_7 : memref<1000000x64xf32, #tpu.memory_space<hbm>>) target(%arg12 : memref<512x64xf32, #tpu.memory_space<vmem>>) offsets(%arg10 : memref<512xi32, #tpu.memory_space<vmem>>) semaphore(%arg16 : memref<!tpu.dma_semaphore, #tpu.memory_space<semaphore_mem>>)
    %dma_start3A_8 = arith.constant 0 : i32
    %dma_start3A_9 = tpu.memref_slice %arg6[%dma_start3A_8] : memref<1000000xf32, #tpu.memory_space<hbm>> -> memref<1000000xf32, #tpu.memory_space<hbm>>
    tpu.enqueue_indirect_dma source(%dma_start3A_9 : memref<1000000xf32, #tpu.memory_space<hbm>>) target(%arg13 : memref<512xf32, #tpu.memory_space<vmem>>) offsets(%arg9 : memref<512xi32, #tpu.memory_space<vmem>>) semaphore(%arg16 : memref<!tpu.dma_semaphore, #tpu.memory_space<semaphore_mem>>)
    %dma_start3A_10 = arith.constant 0 : i32
    %dma_start3A_11 = tpu.memref_slice %arg7[%dma_start3A_10] : memref<1000000xf32, #tpu.memory_space<hbm>> -> memref<1000000xf32, #tpu.memory_space<hbm>>
    tpu.enqueue_indirect_dma source(%dma_start3A_11 : memref<1000000xf32, #tpu.memory_space<hbm>>) target(%arg14 : memref<512xf32, #tpu.memory_space<vmem>>) offsets(%arg10 : memref<512xi32, #tpu.memory_space<vmem>>) semaphore(%arg16 : memref<!tpu.dma_semaphore, #tpu.memory_space<semaphore_mem>>)
    %dma_wait3A = arith.constant 0 : i32
    %dma_wait3A_12 = arith.constant 0 : i32
    %dma_wait3A_13 = tpu.memref_slice %arg4[%dma_wait3A, %dma_wait3A_12] : memref<1000000x64xf32, #tpu.memory_space<hbm>> -> memref<1000000x64xf32, #tpu.memory_space<hbm>>
    tpu.wait_indirect_dma semaphore(%arg16 : memref<!tpu.dma_semaphore, #tpu.memory_space<semaphore_mem>>) src(%dma_wait3A_13 : memref<1000000x64xf32, #tpu.memory_space<hbm>>) dst(%arg11 : memref<512x64xf32, #tpu.memory_space<vmem>>)
    %dma_wait3A_14 = arith.constant 0 : i32
    %dma_wait3A_15 = arith.constant 0 : i32
    %dma_wait3A_16 = tpu.memref_slice %arg5[%dma_wait3A_14, %dma_wait3A_15] : memref<1000000x64xf32, #tpu.memory_space<hbm>> -> memref<1000000x64xf32, #tpu.memory_space<hbm>>
    tpu.wait_indirect_dma semaphore(%arg16 : memref<!tpu.dma_semaphore, #tpu.memory_space<semaphore_mem>>) src(%dma_wait3A_16 : memref<1000000x64xf32, #tpu.memory_space<hbm>>) dst(%arg12 : memref<512x64xf32, #tpu.memory_space<vmem>>)
    %dma_wait3A_17 = arith.constant 0 : i32
    %dma_wait3A_18 = tpu.memref_slice %arg6[%dma_wait3A_17] : memref<1000000xf32, #tpu.memory_space<hbm>> -> memref<1000000xf32, #tpu.memory_space<hbm>>
    tpu.wait_indirect_dma semaphore(%arg16 : memref<!tpu.dma_semaphore, #tpu.memory_space<semaphore_mem>>) src(%dma_wait3A_18 : memref<1000000xf32, #tpu.memory_space<hbm>>) dst(%arg13 : memref<512xf32, #tpu.memory_space<vmem>>)
    %dma_wait3A_19 = arith.constant 0 : i32
    %dma_wait3A_20 = tpu.memref_slice %arg7[%dma_wait3A_19] : memref<1000000xf32, #tpu.memory_space<hbm>> -> memref<1000000xf32, #tpu.memory_space<hbm>>
    tpu.wait_indirect_dma semaphore(%arg16 : memref<!tpu.dma_semaphore, #tpu.memory_space<semaphore_mem>>) src(%dma_wait3A_20 : memref<1000000xf32, #tpu.memory_space<hbm>>) dst(%arg14 : memref<512xf32, #tpu.memory_space<vmem>>)
    %iota3A = tpu.iota {dimensions = array<i32: 0>} : vector<16xi32>
    %scan3A = arith.constant 0 : i32
    %scan3A_21 = arith.constant 0 : i32
    %scan3A_22 = arith.constant 32 : i32
    %scan3A_23 = arith.addi %scan3A_21, %scan3A_22 : i32
    %scan3A_24 = arith.constant 1 : i32
    scf.for %scan3A_26 = %scan3A_21 to %scan3A_23 step %scan3A_24  : i32 {
      %mul3A_27 = arith.constant 16 : i32
      %mul3A_28 = arith.muli %scan3A_26, %mul3A_27 : i32
      %broadcast_in_dim3A = arith.constant 0.000000e+00 : f32
      %broadcast_in_dim3A_29 = vector.broadcast %broadcast_in_dim3A : f32 to vector<16xf32>
      %add3A_30 = arith.constant 0 : i32
      %add3A_31 = arith.addi %mul3A_28, %add3A_30 : i32
      %get3A = arith.constant 0 : i32
      %get3A_32 = tpu.memref_slice %arg11[%add3A_31, %get3A] : memref<512x64xf32, #tpu.memory_space<vmem>> -> memref<1x64xf32, #tpu.memory_space<vmem>>
      %get3A_33 = tpu.memref_squeeze %get3A_32 : memref<1x64xf32, #tpu.memory_space<vmem>> -> memref<64xf32, #tpu.memory_space<vmem>>
      %get3A_34 = arith.constant 0 : index
      %get3A_35 = tpu.vector_load %get3A_33[%get3A_34] {strides = array<i32>} : memref<64xf32, #tpu.memory_space<vmem>>, vector<16xf32>,
      %get3A_36 = arith.constant 0 : i32
      %get3A_37 = tpu.memref_slice %arg12[%add3A_31, %get3A_36] : memref<512x64xf32, #tpu.memory_space<vmem>> -> memref<1x64xf32, #tpu.memory_space<vmem>>
      %get3A_38 = tpu.memref_squeeze %get3A_37 : memref<1x64xf32, #tpu.memory_space<vmem>> -> memref<64xf32, #tpu.memory_space<vmem>>
      %get3A_39 = arith.constant 0 : index
      %get3A_40 = tpu.vector_load %get3A_38[%get3A_39] {strides = array<i32>} : memref<64xf32, #tpu.memory_space<vmem>>, vector<16xf32>,
      %mul3A_41 = arith.mulf %get3A_35, %get3A_40 : vector<16xf32>
      %get3A_42 = arith.constant 0 : i32
      %get3A_43 = tpu.memref_slice %arg11[%add3A_31, %get3A_42] : memref<512x64xf32, #tpu.memory_space<vmem>> -> memref<1x64xf32, #tpu.memory_space<vmem>>
      %get3A_44 = tpu.memref_squeeze %get3A_43 : memref<1x64xf32, #tpu.memory_space<vmem>> -> memref<64xf32, #tpu.memory_space<vmem>>
      %get3A_45 = arith.constant 16 : index
      %get3A_46 = tpu.vector_load %get3A_44[%get3A_45] {strides = array<i32>} : memref<64xf32, #tpu.memory_space<vmem>>, vector<16xf32>,
      %get3A_47 = arith.constant 0 : i32
      %get3A_48 = tpu.memref_slice %arg12[%add3A_31, %get3A_47] : memref<512x64xf32, #tpu.memory_space<vmem>> -> memref<1x64xf32, #tpu.memory_space<vmem>>
      %get3A_49 = tpu.memref_squeeze %get3A_48 : memref<1x64xf32, #tpu.memory_space<vmem>> -> memref<64xf32, #tpu.memory_space<vmem>>
      %get3A_50 = arith.constant 16 : index
      %get3A_51 = tpu.vector_load %get3A_49[%get3A_50] {strides = array<i32>} : memref<64xf32, #tpu.memory_space<vmem>>, vector<16xf32>,
      %mul3A_52 = arith.mulf %get3A_46, %get3A_51 : vector<16xf32>
      %add3A_53 = arith.addf %mul3A_41, %mul3A_52 : vector<16xf32>
      %get3A_54 = arith.constant 0 : i32
      %get3A_55 = tpu.memref_slice %arg11[%add3A_31, %get3A_54] : memref<512x64xf32, #tpu.memory_space<vmem>> -> memref<1x64xf32, #tpu.memory_space<vmem>>
      %get3A_56 = tpu.memref_squeeze %get3A_55 : memref<1x64xf32, #tpu.memory_space<vmem>> -> memref<64xf32, #tpu.memory_space<vmem>>
      %get3A_57 = arith.constant 32 : index
      %get3A_58 = tpu.vector_load %get3A_56[%get3A_57] {strides = array<i32>} : memref<64xf32, #tpu.memory_space<vmem>>, vector<16xf32>,
      %get3A_59 = arith.constant 0 : i32
      %get3A_60 = tpu.memref_slice %arg12[%add3A_31, %get3A_59] : memref<512x64xf32, #tpu.memory_space<vmem>> -> memref<1x64xf32, #tpu.memory_space<vmem>>
      %get3A_61 = tpu.memref_squeeze %get3A_60 : memref<1x64xf32, #tpu.memory_space<vmem>> -> memref<64xf32, #tpu.memory_space<vmem>>
      %get3A_62 = arith.constant 32 : index
      %get3A_63 = tpu.vector_load %get3A_61[%get3A_62] {strides = array<i32>} : memref<64xf32, #tpu.memory_space<vmem>>, vector<16xf32>,
      %mul3A_64 = arith.mulf %get3A_58, %get3A_63 : vector<16xf32>
      %add3A_65 = arith.addf %add3A_53, %mul3A_64 : vector<16xf32>
      %get3A_66 = arith.constant 0 : i32
      %get3A_67 = tpu.memref_slice %arg11[%add3A_31, %get3A_66] : memref<512x64xf32, #tpu.memory_space<vmem>> -> memref<1x64xf32, #tpu.memory_space<vmem>>
      %get3A_68 = tpu.memref_squeeze %get3A_67 : memref<1x64xf32, #tpu.memory_space<vmem>> -> memref<64xf32, #tpu.memory_space<vmem>>
      %get3A_69 = arith.constant 48 : index
      %get3A_70 = tpu.vector_load %get3A_68[%get3A_69] {strides = array<i32>} : memref<64xf32, #tpu.memory_space<vmem>>, vector<16xf32>,
      %get3A_71 = arith.constant 0 : i32
      %get3A_72 = tpu.memref_slice %arg12[%add3A_31, %get3A_71] : memref<512x64xf32, #tpu.memory_space<vmem>> -> memref<1x64xf32, #tpu.memory_space<vmem>>
      %get3A_73 = tpu.memref_squeeze %get3A_72 : memref<1x64xf32, #tpu.memory_space<vmem>> -> memref<64xf32, #tpu.memory_space<vmem>>
      %get3A_74 = arith.constant 48 : index
      %get3A_75 = tpu.vector_load %get3A_73[%get3A_74] {strides = array<i32>} : memref<64xf32, #tpu.memory_space<vmem>>, vector<16xf32>,
      %mul3A_76 = arith.mulf %get3A_70, %get3A_75 : vector<16xf32>
      %add3A_77 = arith.addf %add3A_65, %mul3A_76 : vector<16xf32>
      %eq3A = arith.constant 0 : i32
      %eq3A_78 = vector.broadcast %eq3A : i32 to vector<16xi32>
      %eq3A_79 = arith.cmpi eq, %iota3A, %eq3A_78 : vector<16xi32>
      %reduce_sum3A = arith.constant true
      %reduce_sum3A_80 = vector.broadcast %reduce_sum3A : i1 to vector<16xi1>
      %reduce_sum3A_81 = tpu.scan <sum>, %add3A_77 masked %reduce_sum3A_80 : vector<16xf32>, vector<16xi1> -> vector<16xf32>
      %reduce_sum3A_82 = vector.extract %reduce_sum3A_81[15] : f32 from vector<16xf32>
      %broadcast_in_dim3A_83 = vector.broadcast %reduce_sum3A_82 : f32 to vector<16xf32>
      %select_n3A = arith.select %eq3A_79, %broadcast_in_dim3A_83, %broadcast_in_dim3A_29 : vector<16xi1>, vector<16xf32>
      %add3A_84 = arith.constant 1 : i32
      %add3A_85 = arith.addi %mul3A_28, %add3A_84 : i32
      %get3A_86 = arith.constant 0 : i32
      %get3A_87 = tpu.memref_slice %arg11[%add3A_85, %get3A_86] : memref<512x64xf32, #tpu.memory_space<vmem>> -> memref<1x64xf32, #tpu.memory_space<vmem>>
      %get3A_88 = tpu.memref_squeeze %get3A_87 : memref<1x64xf32, #tpu.memory_space<vmem>> -> memref<64xf32, #tpu.memory_space<vmem>>
      %get3A_89 = arith.constant 0 : index
      %get3A_90 = tpu.vector_load %get3A_88[%get3A_89] {strides = array<i32>} : memref<64xf32, #tpu.memory_space<vmem>>, vector<16xf32>,
      %get3A_91 = arith.constant 0 : i32
      %get3A_92 = tpu.memref_slice %arg12[%add3A_85, %get3A_91] : memref<512x64xf32, #tpu.memory_space<vmem>> -> memref<1x64xf32, #tpu.memory_space<vmem>>
      %get3A_93 = tpu.memref_squeeze %get3A_92 : memref<1x64xf32, #tpu.memory_space<vmem>> -> memref<64xf32, #tpu.memory_space<vmem>>
      %get3A_94 = arith.constant 0 : index
      %get3A_95 = tpu.vector_load %get3A_93[%get3A_94] {strides = array<i32>} : memref<64xf32, #tpu.memory_space<vmem>>, vector<16xf32>,
      %mul3A_96 = arith.mulf %get3A_90, %get3A_95 : vector<16xf32>
      %get3A_97 = arith.constant 0 : i32
      %get3A_98 = tpu.memref_slice %arg11[%add3A_85, %get3A_97] : memref<512x64xf32, #tpu.memory_space<vmem>> -> memref<1x64xf32, #tpu.memory_space<vmem>>
      %get3A_99 = tpu.memref_squeeze %get3A_98 : memref<1x64xf32, #tpu.memory_space<vmem>> -> memref<64xf32, #tpu.memory_space<vmem>>
      %get3A_100 = arith.constant 16 : index
      %get3A_101 = tpu.vector_load %get3A_99[%get3A_100] {strides = array<i32>} : memref<64xf32, #tpu.memory_space<vmem>>, vector<16xf32>,
      %get3A_102 = arith.constant 0 : i32
      %get3A_103 = tpu.memref_slice %arg12[%add3A_85, %get3A_102] : memref<512x64xf32, #tpu.memory_space<vmem>> -> memref<1x64xf32, #tpu.memory_space<vmem>>
      %get3A_104 = tpu.memref_squeeze %get3A_103 : memref<1x64xf32, #tpu.memory_space<vmem>> -> memref<64xf32, #tpu.memory_space<vmem>>
      %get3A_105 = arith.constant 16 : index
      %get3A_106 = tpu.vector_load %get3A_104[%get3A_105] {strides = array<i32>} : memref<64xf32, #tpu.memory_space<vmem>>, vector<16xf32>,
      %mul3A_107 = arith.mulf %get3A_101, %get3A_106 : vector<16xf32>
      %add3A_108 = arith.addf %mul3A_96, %mul3A_107 : vector<16xf32>
      %get3A_109 = arith.constant 0 : i32
      %get3A_110 = tpu.memref_slice %arg11[%add3A_85, %get3A_109] : memref<512x64xf32, #tpu.memory_space<vmem>> -> memref<1x64xf32, #tpu.memory_space<vmem>>
      %get3A_111 = tpu.memref_squeeze %get3A_110 : memref<1x64xf32, #tpu.memory_space<vmem>> -> memref<64xf32, #tpu.memory_space<vmem>>
      %get3A_112 = arith.constant 32 : index
      %get3A_113 = tpu.vector_load %get3A_111[%get3A_112] {strides = array<i32>} : memref<64xf32, #tpu.memory_space<vmem>>, vector<16xf32>,
      %get3A_114 = arith.constant 0 : i32
      %get3A_115 = tpu.memref_slice %arg12[%add3A_85, %get3A_114] : memref<512x64xf32, #tpu.memory_space<vmem>> -> memref<1x64xf32, #tpu.memory_space<vmem>>
      %get3A_116 = tpu.memref_squeeze %get3A_115 : memref<1x64xf32, #tpu.memory_space<vmem>> -> memref<64xf32, #tpu.memory_space<vmem>>
      %get3A_117 = arith.constant 32 : index
      %get3A_118 = tpu.vector_load %get3A_116[%get3A_117] {strides = array<i32>} : memref<64xf32, #tpu.memory_space<vmem>>, vector<16xf32>,
      %mul3A_119 = arith.mulf %get3A_113, %get3A_118 : vector<16xf32>
      %add3A_120 = arith.addf %add3A_108, %mul3A_119 : vector<16xf32>
      %get3A_121 = arith.constant 0 : i32
      %get3A_122 = tpu.memref_slice %arg11[%add3A_85, %get3A_121] : memref<512x64xf32, #tpu.memory_space<vmem>> -> memref<1x64xf32, #tpu.memory_space<vmem>>
      %get3A_123 = tpu.memref_squeeze %get3A_122 : memref<1x64xf32, #tpu.memory_space<vmem>> -> memref<64xf32, #tpu.memory_space<vmem>>
      %get3A_124 = arith.constant 48 : index
      %get3A_125 = tpu.vector_load %get3A_123[%get3A_124] {strides = array<i32>} : memref<64xf32, #tpu.memory_space<vmem>>, vector<16xf32>,
      %get3A_126 = arith.constant 0 : i32
      %get3A_127 = tpu.memref_slice %arg12[%add3A_85, %get3A_126] : memref<512x64xf32, #tpu.memory_space<vmem>> -> memref<1x64xf32, #tpu.memory_space<vmem>>
      %get3A_128 = tpu.memref_squeeze %get3A_127 : memref<1x64xf32, #tpu.memory_space<vmem>> -> memref<64xf32, #tpu.memory_space<vmem>>
      %get3A_129 = arith.constant 48 : index
      %get3A_130 = tpu.vector_load %get3A_128[%get3A_129] {strides = array<i32>} : memref<64xf32, #tpu.memory_space<vmem>>, vector<16xf32>,
      %mul3A_131 = arith.mulf %get3A_125, %get3A_130 : vector<16xf32>
      %add3A_132 = arith.addf %add3A_120, %mul3A_131 : vector<16xf32>
      %eq3A_133 = arith.constant 1 : i32
      %eq3A_134 = vector.broadcast %eq3A_133 : i32 to vector<16xi32>
      %eq3A_135 = arith.cmpi eq, %iota3A, %eq3A_134 : vector<16xi32>
      %reduce_sum3A_136 = arith.constant true
      %reduce_sum3A_137 = vector.broadcast %reduce_sum3A_136 : i1 to vector<16xi1>
      %reduce_sum3A_138 = tpu.scan <sum>, %add3A_132 masked %reduce_sum3A_137 : vector<16xf32>, vector<16xi1> -> vector<16xf32>
      %reduce_sum3A_139 = vector.extract %reduce_sum3A_138[15] : f32 from vector<16xf32>
      %broadcast_in_dim3A_140 = vector.broadcast %reduce_sum3A_139 : f32 to vector<16xf32>
      %select_n3A_141 = arith.select %eq3A_135, %broadcast_in_dim3A_140, %select_n3A : vector<16xi1>, vector<16xf32>
      %add3A_142 = arith.constant 2 : i32
      %add3A_143 = arith.addi %mul3A_28, %add3A_142 : i32
      %get3A_144 = arith.constant 0 : i32
      %get3A_145 = tpu.memref_slice %arg11[%add3A_143, %get3A_144] : memref<512x64xf32, #tpu.memory_space<vmem>> -> memref<1x64xf32, #tpu.memory_space<vmem>>
      %get3A_146 = tpu.memref_squeeze %get3A_145 : memref<1x64xf32, #tpu.memory_space<vmem>> -> memref<64xf32, #tpu.memory_space<vmem>>
      %get3A_147 = arith.constant 0 : index
      %get3A_148 = tpu.vector_load %get3A_146[%get3A_147] {strides = array<i32>} : memref<64xf32, #tpu.memory_space<vmem>>, vector<16xf32>,
      %get3A_149 = arith.constant 0 : i32
      %get3A_150 = tpu.memref_slice %arg12[%add3A_143, %get3A_149] : memref<512x64xf32, #tpu.memory_space<vmem>> -> memref<1x64xf32, #tpu.memory_space<vmem>>
      %get3A_151 = tpu.memref_squeeze %get3A_150 : memref<1x64xf32, #tpu.memory_space<vmem>> -> memref<64xf32, #tpu.memory_space<vmem>>
      %get3A_152 = arith.constant 0 : index
      %get3A_153 = tpu.vector_load %get3A_151[%get3A_152] {strides = array<i32>} : memref<64xf32, #tpu.memory_space<vmem>>, vector<16xf32>,
      %mul3A_154 = arith.mulf %get3A_148, %get3A_153 : vector<16xf32>
      %get3A_155 = arith.constant 0 : i32
      %get3A_156 = tpu.memref_slice %arg11[%add3A_143, %get3A_155] : memref<512x64xf32, #tpu.memory_space<vmem>> -> memref<1x64xf32, #tpu.memory_space<vmem>>
      %get3A_157 = tpu.memref_squeeze %get3A_156 : memref<1x64xf32, #tpu.memory_space<vmem>> -> memref<64xf32, #tpu.memory_space<vmem>>
      %get3A_158 = arith.constant 16 : index
      %get3A_159 = tpu.vector_load %get3A_157[%get3A_158] {strides = array<i32>} : memref<64xf32, #tpu.memory_space<vmem>>, vector<16xf32>,
      %get3A_160 = arith.constant 0 : i32
      %get3A_161 = tpu.memref_slice %arg12[%add3A_143, %get3A_160] : memref<512x64xf32, #tpu.memory_space<vmem>> -> memref<1x64xf32, #tpu.memory_space<vmem>>
      %get3A_162 = tpu.memref_squeeze %get3A_161 : memref<1x64xf32, #tpu.memory_space<vmem>> -> memref<64xf32, #tpu.memory_space<vmem>>
      %get3A_163 = arith.constant 16 : index
      %get3A_164 = tpu.vector_load %get3A_162[%get3A_163] {strides = array<i32>} : memref<64xf32, #tpu.memory_space<vmem>>, vector<16xf32>,
      %mul3A_165 = arith.mulf %get3A_159, %get3A_164 : vector<16xf32>
      %add3A_166 = arith.addf %mul3A_154, %mul3A_165 : vector<16xf32>
      %get3A_167 = arith.constant 0 : i32
      %get3A_168 = tpu.memref_slice %arg11[%add3A_143, %get3A_167] : memref<512x64xf32, #tpu.memory_space<vmem>> -> memref<1x64xf32, #tpu.memory_space<vmem>>
      %get3A_169 = tpu.memref_squeeze %get3A_168 : memref<1x64xf32, #tpu.memory_space<vmem>> -> memref<64xf32, #tpu.memory_space<vmem>>
      %get3A_170 = arith.constant 32 : index
      %get3A_171 = tpu.vector_load %get3A_169[%get3A_170] {strides = array<i32>} : memref<64xf32, #tpu.memory_space<vmem>>, vector<16xf32>,
      %get3A_172 = arith.constant 0 : i32
      %get3A_173 = tpu.memref_slice %arg12[%add3A_143, %get3A_172] : memref<512x64xf32, #tpu.memory_space<vmem>> -> memref<1x64xf32, #tpu.memory_space<vmem>>
      %get3A_174 = tpu.memref_squeeze %get3A_173 : memref<1x64xf32, #tpu.memory_space<vmem>> -> memref<64xf32, #tpu.memory_space<vmem>>
      %get3A_175 = arith.constant 32 : index
      %get3A_176 = tpu.vector_load %get3A_174[%get3A_175] {strides = array<i32>} : memref<64xf32, #tpu.memory_space<vmem>>, vector<16xf32>,
      %mul3A_177 = arith.mulf %get3A_171, %get3A_176 : vector<16xf32>
      %add3A_178 = arith.addf %add3A_166, %mul3A_177 : vector<16xf32>
      %get3A_179 = arith.constant 0 : i32
      %get3A_180 = tpu.memref_slice %arg11[%add3A_143, %get3A_179] : memref<512x64xf32, #tpu.memory_space<vmem>> -> memref<1x64xf32, #tpu.memory_space<vmem>>
      %get3A_181 = tpu.memref_squeeze %get3A_180 : memref<1x64xf32, #tpu.memory_space<vmem>> -> memref<64xf32, #tpu.memory_space<vmem>>
      %get3A_182 = arith.constant 48 : index
      %get3A_183 = tpu.vector_load %get3A_181[%get3A_182] {strides = array<i32>} : memref<64xf32, #tpu.memory_space<vmem>>, vector<16xf32>,
      %get3A_184 = arith.constant 0 : i32
      %get3A_185 = tpu.memref_slice %arg12[%add3A_143, %get3A_184] : memref<512x64xf32, #tpu.memory_space<vmem>> -> memref<1x64xf32, #tpu.memory_space<vmem>>
      %get3A_186 = tpu.memref_squeeze %get3A_185 : memref<1x64xf32, #tpu.memory_space<vmem>> -> memref<64xf32, #tpu.memory_space<vmem>>
      %get3A_187 = arith.constant 48 : index
      %get3A_188 = tpu.vector_load %get3A_186[%get3A_187] {strides = array<i32>} : memref<64xf32, #tpu.memory_space<vmem>>, vector<16xf32>,
      %mul3A_189 = arith.mulf %get3A_183, %get3A_188 : vector<16xf32>
      %add3A_190 = arith.addf %add3A_178, %mul3A_189 : vector<16xf32>
      %eq3A_191 = arith.constant 2 : i32
      %eq3A_192 = vector.broadcast %eq3A_191 : i32 to vector<16xi32>
      %eq3A_193 = arith.cmpi eq, %iota3A, %eq3A_192 : vector<16xi32>
      %reduce_sum3A_194 = arith.constant true
      %reduce_sum3A_195 = vector.broadcast %reduce_sum3A_194 : i1 to vector<16xi1>
      %reduce_sum3A_196 = tpu.scan <sum>, %add3A_190 masked %reduce_sum3A_195 : vector<16xf32>, vector<16xi1> -> vector<16xf32>
      %reduce_sum3A_197 = vector.extract %reduce_sum3A_196[15] : f32 from vector<16xf32>
      %broadcast_in_dim3A_198 = vector.broadcast %reduce_sum3A_197 : f32 to vector<16xf32>
      %select_n3A_199 = arith.select %eq3A_193, %broadcast_in_dim3A_198, %select_n3A_141 : vector<16xi1>, vector<16xf32>
      %add3A_200 = arith.constant 3 : i32
      %add3A_201 = arith.addi %mul3A_28, %add3A_200 : i32
      %get3A_202 = arith.constant 0 : i32
      %get3A_203 = tpu.memref_slice %arg11[%add3A_201, %get3A_202] : memref<512x64xf32, #tpu.memory_space<vmem>> -> memref<1x64xf32, #tpu.memory_space<vmem>>
      %get3A_204 = tpu.memref_squeeze %get3A_203 : memref<1x64xf32, #tpu.memory_space<vmem>> -> memref<64xf32, #tpu.memory_space<vmem>>
      %get3A_205 = arith.constant 0 : index
      %get3A_206 = tpu.vector_load %get3A_204[%get3A_205] {strides = array<i32>} : memref<64xf32, #tpu.memory_space<vmem>>, vector<16xf32>,
      %get3A_207 = arith.constant 0 : i32
      %get3A_208 = tpu.memref_slice %arg12[%add3A_201, %get3A_207] : memref<512x64xf32, #tpu.memory_space<vmem>> -> memref<1x64xf32, #tpu.memory_space<vmem>>
      %get3A_209 = tpu.memref_squeeze %get3A_208 : memref<1x64xf32, #tpu.memory_space<vmem>> -> memref<64xf32, #tpu.memory_space<vmem>>
      %get3A_210 = arith.constant 0 : index
      %get3A_211 = tpu.vector_load %get3A_209[%get3A_210] {strides = array<i32>} : memref<64xf32, #tpu.memory_space<vmem>>, vector<16xf32>,
      %mul3A_212 = arith.mulf %get3A_206, %get3A_211 : vector<16xf32>
      %get3A_213 = arith.constant 0 : i32
      %get3A_214 = tpu.memref_slice %arg11[%add3A_201, %get3A_213] : memref<512x64xf32, #tpu.memory_space<vmem>> -> memref<1x64xf32, #tpu.memory_space<vmem>>
      %get3A_215 = tpu.memref_squeeze %get3A_214 : memref<1x64xf32, #tpu.memory_space<vmem>> -> memref<64xf32, #tpu.memory_space<vmem>>
      %get3A_216 = arith.constant 16 : index
      %get3A_217 = tpu.vector_load %get3A_215[%get3A_216] {strides = array<i32>} : memref<64xf32, #tpu.memory_space<vmem>>, vector<16xf32>,
      %get3A_218 = arith.constant 0 : i32
      %get3A_219 = tpu.memref_slice %arg12[%add3A_201, %get3A_218] : memref<512x64xf32, #tpu.memory_space<vmem>> -> memref<1x64xf32, #tpu.memory_space<vmem>>
      %get3A_220 = tpu.memref_squeeze %get3A_219 : memref<1x64xf32, #tpu.memory_space<vmem>> -> memref<64xf32, #tpu.memory_space<vmem>>
      %get3A_221 = arith.constant 16 : index
      %get3A_222 = tpu.vector_load %get3A_220[%get3A_221] {strides = array<i32>} : memref<64xf32, #tpu.memory_space<vmem>>, vector<16xf32>,
      %mul3A_223 = arith.mulf %get3A_217, %get3A_222 : vector<16xf32>
      %add3A_224 = arith.addf %mul3A_212, %mul3A_223 : vector<16xf32>
      %get3A_225 = arith.constant 0 : i32
      %get3A_226 = tpu.memref_slice %arg11[%add3A_201, %get3A_225] : memref<512x64xf32, #tpu.memory_space<vmem>> -> memref<1x64xf32, #tpu.memory_space<vmem>>
      %get3A_227 = tpu.memref_squeeze %get3A_226 : memref<1x64xf32, #tpu.memory_space<vmem>> -> memref<64xf32, #tpu.memory_space<vmem>>
      %get3A_228 = arith.constant 32 : index
      %get3A_229 = tpu.vector_load %get3A_227[%get3A_228] {strides = array<i32>} : memref<64xf32, #tpu.memory_space<vmem>>, vector<16xf32>,
      %get3A_230 = arith.constant 0 : i32
      %get3A_231 = tpu.memref_slice %arg12[%add3A_201, %get3A_230] : memref<512x64xf32, #tpu.memory_space<vmem>> -> memref<1x64xf32, #tpu.memory_space<vmem>>
      %get3A_232 = tpu.memref_squeeze %get3A_231 : memref<1x64xf32, #tpu.memory_space<vmem>> -> memref<64xf32, #tpu.memory_space<vmem>>
      %get3A_233 = arith.constant 32 : index
      %get3A_234 = tpu.vector_load %get3A_232[%get3A_233] {strides = array<i32>} : memref<64xf32, #tpu.memory_space<vmem>>, vector<16xf32>,
      %mul3A_235 = arith.mulf %get3A_229, %get3A_234 : vector<16xf32>
      %add3A_236 = arith.addf %add3A_224, %mul3A_235 : vector<16xf32>
      %get3A_237 = arith.constant 0 : i32
      %get3A_238 = tpu.memref_slice %arg11[%add3A_201, %get3A_237] : memref<512x64xf32, #tpu.memory_space<vmem>> -> memref<1x64xf32, #tpu.memory_space<vmem>>
      %get3A_239 = tpu.memref_squeeze %get3A_238 : memref<1x64xf32, #tpu.memory_space<vmem>> -> memref<64xf32, #tpu.memory_space<vmem>>
      %get3A_240 = arith.constant 48 : index
      %get3A_241 = tpu.vector_load %get3A_239[%get3A_240] {strides = array<i32>} : memref<64xf32, #tpu.memory_space<vmem>>, vector<16xf32>,
      %get3A_242 = arith.constant 0 : i32
      %get3A_243 = tpu.memref_slice %arg12[%add3A_201, %get3A_242] : memref<512x64xf32, #tpu.memory_space<vmem>> -> memref<1x64xf32, #tpu.memory_space<vmem>>
      %get3A_244 = tpu.memref_squeeze %get3A_243 : memref<1x64xf32, #tpu.memory_space<vmem>> -> memref<64xf32, #tpu.memory_space<vmem>>
      %get3A_245 = arith.constant 48 : index
      %get3A_246 = tpu.vector_load %get3A_244[%get3A_245] {strides = array<i32>} : memref<64xf32, #tpu.memory_space<vmem>>, vector<16xf32>,
      %mul3A_247 = arith.mulf %get3A_241, %get3A_246 : vector<16xf32>
      %add3A_248 = arith.addf %add3A_236, %mul3A_247 : vector<16xf32>
      %eq3A_249 = arith.constant 3 : i32
      %eq3A_250 = vector.broadcast %eq3A_249 : i32 to vector<16xi32>
      %eq3A_251 = arith.cmpi eq, %iota3A, %eq3A_250 : vector<16xi32>
      %reduce_sum3A_252 = arith.constant true
      %reduce_sum3A_253 = vector.broadcast %reduce_sum3A_252 : i1 to vector<16xi1>
      %reduce_sum3A_254 = tpu.scan <sum>, %add3A_248 masked %reduce_sum3A_253 : vector<16xf32>, vector<16xi1> -> vector<16xf32>
      %reduce_sum3A_255 = vector.extract %reduce_sum3A_254[15] : f32 from vector<16xf32>
      %broadcast_in_dim3A_256 = vector.broadcast %reduce_sum3A_255 : f32 to vector<16xf32>
      %select_n3A_257 = arith.select %eq3A_251, %broadcast_in_dim3A_256, %select_n3A_199 : vector<16xi1>, vector<16xf32>
      %add3A_258 = arith.constant 4 : i32
      %add3A_259 = arith.addi %mul3A_28, %add3A_258 : i32
      %get3A_260 = arith.constant 0 : i32
      %get3A_261 = tpu.memref_slice %arg11[%add3A_259, %get3A_260] : memref<512x64xf32, #tpu.memory_space<vmem>> -> memref<1x64xf32, #tpu.memory_space<vmem>>
      %get3A_262 = tpu.memref_squeeze %get3A_261 : memref<1x64xf32, #tpu.memory_space<vmem>> -> memref<64xf32, #tpu.memory_space<vmem>>
      %get3A_263 = arith.constant 0 : index
      %get3A_264 = tpu.vector_load %get3A_262[%get3A_263] {strides = array<i32>} : memref<64xf32, #tpu.memory_space<vmem>>, vector<16xf32>,
      %get3A_265 = arith.constant 0 : i32
      %get3A_266 = tpu.memref_slice %arg12[%add3A_259, %get3A_265] : memref<512x64xf32, #tpu.memory_space<vmem>> -> memref<1x64xf32, #tpu.memory_space<vmem>>
      %get3A_267 = tpu.memref_squeeze %get3A_266 : memref<1x64xf32, #tpu.memory_space<vmem>> -> memref<64xf32, #tpu.memory_space<vmem>>
      %get3A_268 = arith.constant 0 : index
      %get3A_269 = tpu.vector_load %get3A_267[%get3A_268] {strides = array<i32>} : memref<64xf32, #tpu.memory_space<vmem>>, vector<16xf32>,
      %mul3A_270 = arith.mulf %get3A_264, %get3A_269 : vector<16xf32>
      %get3A_271 = arith.constant 0 : i32
      %get3A_272 = tpu.memref_slice %arg11[%add3A_259, %get3A_271] : memref<512x64xf32, #tpu.memory_space<vmem>> -> memref<1x64xf32, #tpu.memory_space<vmem>>
      %get3A_273 = tpu.memref_squeeze %get3A_272 : memref<1x64xf32, #tpu.memory_space<vmem>> -> memref<64xf32, #tpu.memory_space<vmem>>
      %get3A_274 = arith.constant 16 : index
      %get3A_275 = tpu.vector_load %get3A_273[%get3A_274] {strides = array<i32>} : memref<64xf32, #tpu.memory_space<vmem>>, vector<16xf32>,
      %get3A_276 = arith.constant 0 : i32
      %get3A_277 = tpu.memref_slice %arg12[%add3A_259, %get3A_276] : memref<512x64xf32, #tpu.memory_space<vmem>> -> memref<1x64xf32, #tpu.memory_space<vmem>>
      %get3A_278 = tpu.memref_squeeze %get3A_277 : memref<1x64xf32, #tpu.memory_space<vmem>> -> memref<64xf32, #tpu.memory_space<vmem>>
      %get3A_279 = arith.constant 16 : index
      %get3A_280 = tpu.vector_load %get3A_278[%get3A_279] {strides = array<i32>} : memref<64xf32, #tpu.memory_space<vmem>>, vector<16xf32>,
      %mul3A_281 = arith.mulf %get3A_275, %get3A_280 : vector<16xf32>
      %add3A_282 = arith.addf %mul3A_270, %mul3A_281 : vector<16xf32>
      %get3A_283 = arith.constant 0 : i32
      %get3A_284 = tpu.memref_slice %arg11[%add3A_259, %get3A_283] : memref<512x64xf32, #tpu.memory_space<vmem>> -> memref<1x64xf32, #tpu.memory_space<vmem>>
      %get3A_285 = tpu.memref_squeeze %get3A_284 : memref<1x64xf32, #tpu.memory_space<vmem>> -> memref<64xf32, #tpu.memory_space<vmem>>
      %get3A_286 = arith.constant 32 : index
      %get3A_287 = tpu.vector_load %get3A_285[%get3A_286] {strides = array<i32>} : memref<64xf32, #tpu.memory_space<vmem>>, vector<16xf32>,
      %get3A_288 = arith.constant 0 : i32
      %get3A_289 = tpu.memref_slice %arg12[%add3A_259, %get3A_288] : memref<512x64xf32, #tpu.memory_space<vmem>> -> memref<1x64xf32, #tpu.memory_space<vmem>>
      %get3A_290 = tpu.memref_squeeze %get3A_289 : memref<1x64xf32, #tpu.memory_space<vmem>> -> memref<64xf32, #tpu.memory_space<vmem>>
      %get3A_291 = arith.constant 32 : index
      %get3A_292 = tpu.vector_load %get3A_290[%get3A_291] {strides = array<i32>} : memref<64xf32, #tpu.memory_space<vmem>>, vector<16xf32>,
      %mul3A_293 = arith.mulf %get3A_287, %get3A_292 : vector<16xf32>
      %add3A_294 = arith.addf %add3A_282, %mul3A_293 : vector<16xf32>
      %get3A_295 = arith.constant 0 : i32
      %get3A_296 = tpu.memref_slice %arg11[%add3A_259, %get3A_295] : memref<512x64xf32, #tpu.memory_space<vmem>> -> memref<1x64xf32, #tpu.memory_space<vmem>>
      %get3A_297 = tpu.memref_squeeze %get3A_296 : memref<1x64xf32, #tpu.memory_space<vmem>> -> memref<64xf32, #tpu.memory_space<vmem>>
      %get3A_298 = arith.constant 48 : index
      %get3A_299 = tpu.vector_load %get3A_297[%get3A_298] {strides = array<i32>} : memref<64xf32, #tpu.memory_space<vmem>>, vector<16xf32>,
      %get3A_300 = arith.constant 0 : i32
      %get3A_301 = tpu.memref_slice %arg12[%add3A_259, %get3A_300] : memref<512x64xf32, #tpu.memory_space<vmem>> -> memref<1x64xf32, #tpu.memory_space<vmem>>
      %get3A_302 = tpu.memref_squeeze %get3A_301 : memref<1x64xf32, #tpu.memory_space<vmem>> -> memref<64xf32, #tpu.memory_space<vmem>>
      %get3A_303 = arith.constant 48 : index
      %get3A_304 = tpu.vector_load %get3A_302[%get3A_303] {strides = array<i32>} : memref<64xf32, #tpu.memory_space<vmem>>, vector<16xf32>,
      %mul3A_305 = arith.mulf %get3A_299, %get3A_304 : vector<16xf32>
      %add3A_306 = arith.addf %add3A_294, %mul3A_305 : vector<16xf32>
      %eq3A_307 = arith.constant 4 : i32
      %eq3A_308 = vector.broadcast %eq3A_307 : i32 to vector<16xi32>
      %eq3A_309 = arith.cmpi eq, %iota3A, %eq3A_308 : vector<16xi32>
      %reduce_sum3A_310 = arith.constant true
      %reduce_sum3A_311 = vector.broadcast %reduce_sum3A_310 : i1 to vector<16xi1>
      %reduce_sum3A_312 = tpu.scan <sum>, %add3A_306 masked %reduce_sum3A_311 : vector<16xf32>, vector<16xi1> -> vector<16xf32>
      %reduce_sum3A_313 = vector.extract %reduce_sum3A_312[15] : f32 from vector<16xf32>
      %broadcast_in_dim3A_314 = vector.broadcast %reduce_sum3A_313 : f32 to vector<16xf32>
      %select_n3A_315 = arith.select %eq3A_309, %broadcast_in_dim3A_314, %select_n3A_257 : vector<16xi1>, vector<16xf32>
      %add3A_316 = arith.constant 5 : i32
      %add3A_317 = arith.addi %mul3A_28, %add3A_316 : i32
      %get3A_318 = arith.constant 0 : i32
      %get3A_319 = tpu.memref_slice %arg11[%add3A_317, %get3A_318] : memref<512x64xf32, #tpu.memory_space<vmem>> -> memref<1x64xf32, #tpu.memory_space<vmem>>
      %get3A_320 = tpu.memref_squeeze %get3A_319 : memref<1x64xf32, #tpu.memory_space<vmem>> -> memref<64xf32, #tpu.memory_space<vmem>>
      %get3A_321 = arith.constant 0 : index
      %get3A_322 = tpu.vector_load %get3A_320[%get3A_321] {strides = array<i32>} : memref<64xf32, #tpu.memory_space<vmem>>, vector<16xf32>,
      %get3A_323 = arith.constant 0 : i32
      %get3A_324 = tpu.memref_slice %arg12[%add3A_317, %get3A_323] : memref<512x64xf32, #tpu.memory_space<vmem>> -> memref<1x64xf32, #tpu.memory_space<vmem>>
      %get3A_325 = tpu.memref_squeeze %get3A_324 : memref<1x64xf32, #tpu.memory_space<vmem>> -> memref<64xf32, #tpu.memory_space<vmem>>
      %get3A_326 = arith.constant 0 : index
      %get3A_327 = tpu.vector_load %get3A_325[%get3A_326] {strides = array<i32>} : memref<64xf32, #tpu.memory_space<vmem>>, vector<16xf32>,
      %mul3A_328 = arith.mulf %get3A_322, %get3A_327 : vector<16xf32>
      %get3A_329 = arith.constant 0 : i32
      %get3A_330 = tpu.memref_slice %arg11[%add3A_317, %get3A_329] : memref<512x64xf32, #tpu.memory_space<vmem>> -> memref<1x64xf32, #tpu.memory_space<vmem>>
      %get3A_331 = tpu.memref_squeeze %get3A_330 : memref<1x64xf32, #tpu.memory_space<vmem>> -> memref<64xf32, #tpu.memory_space<vmem>>
      %get3A_332 = arith.constant 16 : index
      %get3A_333 = tpu.vector_load %get3A_331[%get3A_332] {strides = array<i32>} : memref<64xf32, #tpu.memory_space<vmem>>, vector<16xf32>,
      %get3A_334 = arith.constant 0 : i32
      %get3A_335 = tpu.memref_slice %arg12[%add3A_317, %get3A_334] : memref<512x64xf32, #tpu.memory_space<vmem>> -> memref<1x64xf32, #tpu.memory_space<vmem>>
      %get3A_336 = tpu.memref_squeeze %get3A_335 : memref<1x64xf32, #tpu.memory_space<vmem>> -> memref<64xf32, #tpu.memory_space<vmem>>
      %get3A_337 = arith.constant 16 : index
      %get3A_338 = tpu.vector_load %get3A_336[%get3A_337] {strides = array<i32>} : memref<64xf32, #tpu.memory_space<vmem>>, vector<16xf32>,
      %mul3A_339 = arith.mulf %get3A_333, %get3A_338 : vector<16xf32>
      %add3A_340 = arith.addf %mul3A_328, %mul3A_339 : vector<16xf32>
      %get3A_341 = arith.constant 0 : i32
      %get3A_342 = tpu.memref_slice %arg11[%add3A_317, %get3A_341] : memref<512x64xf32, #tpu.memory_space<vmem>> -> memref<1x64xf32, #tpu.memory_space<vmem>>
      %get3A_343 = tpu.memref_squeeze %get3A_342 : memref<1x64xf32, #tpu.memory_space<vmem>> -> memref<64xf32, #tpu.memory_space<vmem>>
      %get3A_344 = arith.constant 32 : index
      %get3A_345 = tpu.vector_load %get3A_343[%get3A_344] {strides = array<i32>} : memref<64xf32, #tpu.memory_space<vmem>>, vector<16xf32>,
      %get3A_346 = arith.constant 0 : i32
      %get3A_347 = tpu.memref_slice %arg12[%add3A_317, %get3A_346] : memref<512x64xf32, #tpu.memory_space<vmem>> -> memref<1x64xf32, #tpu.memory_space<vmem>>
      %get3A_348 = tpu.memref_squeeze %get3A_347 : memref<1x64xf32, #tpu.memory_space<vmem>> -> memref<64xf32, #tpu.memory_space<vmem>>
      %get3A_349 = arith.constant 32 : index
      %get3A_350 = tpu.vector_load %get3A_348[%get3A_349] {strides = array<i32>} : memref<64xf32, #tpu.memory_space<vmem>>, vector<16xf32>,
      %mul3A_351 = arith.mulf %get3A_345, %get3A_350 : vector<16xf32>
      %add3A_352 = arith.addf %add3A_340, %mul3A_351 : vector<16xf32>
      %get3A_353 = arith.constant 0 : i32
      %get3A_354 = tpu.memref_slice %arg11[%add3A_317, %get3A_353] : memref<512x64xf32, #tpu.memory_space<vmem>> -> memref<1x64xf32, #tpu.memory_space<vmem>>
      %get3A_355 = tpu.memref_squeeze %get3A_354 : memref<1x64xf32, #tpu.memory_space<vmem>> -> memref<64xf32, #tpu.memory_space<vmem>>
      %get3A_356 = arith.constant 48 : index
      %get3A_357 = tpu.vector_load %get3A_355[%get3A_356] {strides = array<i32>} : memref<64xf32, #tpu.memory_space<vmem>>, vector<16xf32>,
      %get3A_358 = arith.constant 0 : i32
      %get3A_359 = tpu.memref_slice %arg12[%add3A_317, %get3A_358] : memref<512x64xf32, #tpu.memory_space<vmem>> -> memref<1x64xf32, #tpu.memory_space<vmem>>
      %get3A_360 = tpu.memref_squeeze %get3A_359 : memref<1x64xf32, #tpu.memory_space<vmem>> -> memref<64xf32, #tpu.memory_space<vmem>>
      %get3A_361 = arith.constant 48 : index
      %get3A_362 = tpu.vector_load %get3A_360[%get3A_361] {strides = array<i32>} : memref<64xf32, #tpu.memory_space<vmem>>, vector<16xf32>,
      %mul3A_363 = arith.mulf %get3A_357, %get3A_362 : vector<16xf32>
      %add3A_364 = arith.addf %add3A_352, %mul3A_363 : vector<16xf32>
      %eq3A_365 = arith.constant 5 : i32
      %eq3A_366 = vector.broadcast %eq3A_365 : i32 to vector<16xi32>
      %eq3A_367 = arith.cmpi eq, %iota3A, %eq3A_366 : vector<16xi32>
      %reduce_sum3A_368 = arith.constant true
      %reduce_sum3A_369 = vector.broadcast %reduce_sum3A_368 : i1 to vector<16xi1>
      %reduce_sum3A_370 = tpu.scan <sum>, %add3A_364 masked %reduce_sum3A_369 : vector<16xf32>, vector<16xi1> -> vector<16xf32>
      %reduce_sum3A_371 = vector.extract %reduce_sum3A_370[15] : f32 from vector<16xf32>
      %broadcast_in_dim3A_372 = vector.broadcast %reduce_sum3A_371 : f32 to vector<16xf32>
      %select_n3A_373 = arith.select %eq3A_367, %broadcast_in_dim3A_372, %select_n3A_315 : vector<16xi1>, vector<16xf32>
      %add3A_374 = arith.constant 6 : i32
      %add3A_375 = arith.addi %mul3A_28, %add3A_374 : i32
      %get3A_376 = arith.constant 0 : i32
      %get3A_377 = tpu.memref_slice %arg11[%add3A_375, %get3A_376] : memref<512x64xf32, #tpu.memory_space<vmem>> -> memref<1x64xf32, #tpu.memory_space<vmem>>
      %get3A_378 = tpu.memref_squeeze %get3A_377 : memref<1x64xf32, #tpu.memory_space<vmem>> -> memref<64xf32, #tpu.memory_space<vmem>>
      %get3A_379 = arith.constant 0 : index
      %get3A_380 = tpu.vector_load %get3A_378[%get3A_379] {strides = array<i32>} : memref<64xf32, #tpu.memory_space<vmem>>, vector<16xf32>,
      %get3A_381 = arith.constant 0 : i32
      %get3A_382 = tpu.memref_slice %arg12[%add3A_375, %get3A_381] : memref<512x64xf32, #tpu.memory_space<vmem>> -> memref<1x64xf32, #tpu.memory_space<vmem>>
      %get3A_383 = tpu.memref_squeeze %get3A_382 : memref<1x64xf32, #tpu.memory_space<vmem>> -> memref<64xf32, #tpu.memory_space<vmem>>
      %get3A_384 = arith.constant 0 : index
      %get3A_385 = tpu.vector_load %get3A_383[%get3A_384] {strides = array<i32>} : memref<64xf32, #tpu.memory_space<vmem>>, vector<16xf32>,
      %mul3A_386 = arith.mulf %get3A_380, %get3A_385 : vector<16xf32>
      %get3A_387 = arith.constant 0 : i32
      %get3A_388 = tpu.memref_slice %arg11[%add3A_375, %get3A_387] : memref<512x64xf32, #tpu.memory_space<vmem>> -> memref<1x64xf32, #tpu.memory_space<vmem>>
      %get3A_389 = tpu.memref_squeeze %get3A_388 : memref<1x64xf32, #tpu.memory_space<vmem>> -> memref<64xf32, #tpu.memory_space<vmem>>
      %get3A_390 = arith.constant 16 : index
      %get3A_391 = tpu.vector_load %get3A_389[%get3A_390] {strides = array<i32>} : memref<64xf32, #tpu.memory_space<vmem>>, vector<16xf32>,
      %get3A_392 = arith.constant 0 : i32
      %get3A_393 = tpu.memref_slice %arg12[%add3A_375, %get3A_392] : memref<512x64xf32, #tpu.memory_space<vmem>> -> memref<1x64xf32, #tpu.memory_space<vmem>>
      %get3A_394 = tpu.memref_squeeze %get3A_393 : memref<1x64xf32, #tpu.memory_space<vmem>> -> memref<64xf32, #tpu.memory_space<vmem>>
      %get3A_395 = arith.constant 16 : index
      %get3A_396 = tpu.vector_load %get3A_394[%get3A_395] {strides = array<i32>} : memref<64xf32, #tpu.memory_space<vmem>>, vector<16xf32>,
      %mul3A_397 = arith.mulf %get3A_391, %get3A_396 : vector<16xf32>
      %add3A_398 = arith.addf %mul3A_386, %mul3A_397 : vector<16xf32>
      %get3A_399 = arith.constant 0 : i32
      %get3A_400 = tpu.memref_slice %arg11[%add3A_375, %get3A_399] : memref<512x64xf32, #tpu.memory_space<vmem>> -> memref<1x64xf32, #tpu.memory_space<vmem>>
      %get3A_401 = tpu.memref_squeeze %get3A_400 : memref<1x64xf32, #tpu.memory_space<vmem>> -> memref<64xf32, #tpu.memory_space<vmem>>
      %get3A_402 = arith.constant 32 : index
      %get3A_403 = tpu.vector_load %get3A_401[%get3A_402] {strides = array<i32>} : memref<64xf32, #tpu.memory_space<vmem>>, vector<16xf32>,
      %get3A_404 = arith.constant 0 : i32
      %get3A_405 = tpu.memref_slice %arg12[%add3A_375, %get3A_404] : memref<512x64xf32, #tpu.memory_space<vmem>> -> memref<1x64xf32, #tpu.memory_space<vmem>>
      %get3A_406 = tpu.memref_squeeze %get3A_405 : memref<1x64xf32, #tpu.memory_space<vmem>> -> memref<64xf32, #tpu.memory_space<vmem>>
      %get3A_407 = arith.constant 32 : index
      %get3A_408 = tpu.vector_load %get3A_406[%get3A_407] {strides = array<i32>} : memref<64xf32, #tpu.memory_space<vmem>>, vector<16xf32>,
      %mul3A_409 = arith.mulf %get3A_403, %get3A_408 : vector<16xf32>
      %add3A_410 = arith.addf %add3A_398, %mul3A_409 : vector<16xf32>
      %get3A_411 = arith.constant 0 : i32
      %get3A_412 = tpu.memref_slice %arg11[%add3A_375, %get3A_411] : memref<512x64xf32, #tpu.memory_space<vmem>> -> memref<1x64xf32, #tpu.memory_space<vmem>>
      %get3A_413 = tpu.memref_squeeze %get3A_412 : memref<1x64xf32, #tpu.memory_space<vmem>> -> memref<64xf32, #tpu.memory_space<vmem>>
      %get3A_414 = arith.constant 48 : index
      %get3A_415 = tpu.vector_load %get3A_413[%get3A_414] {strides = array<i32>} : memref<64xf32, #tpu.memory_space<vmem>>, vector<16xf32>,
      %get3A_416 = arith.constant 0 : i32
      %get3A_417 = tpu.memref_slice %arg12[%add3A_375, %get3A_416] : memref<512x64xf32, #tpu.memory_space<vmem>> -> memref<1x64xf32, #tpu.memory_space<vmem>>
      %get3A_418 = tpu.memref_squeeze %get3A_417 : memref<1x64xf32, #tpu.memory_space<vmem>> -> memref<64xf32, #tpu.memory_space<vmem>>
      %get3A_419 = arith.constant 48 : index
      %get3A_420 = tpu.vector_load %get3A_418[%get3A_419] {strides = array<i32>} : memref<64xf32, #tpu.memory_space<vmem>>, vector<16xf32>,
      %mul3A_421 = arith.mulf %get3A_415, %get3A_420 : vector<16xf32>
      %add3A_422 = arith.addf %add3A_410, %mul3A_421 : vector<16xf32>
      %eq3A_423 = arith.constant 6 : i32
      %eq3A_424 = vector.broadcast %eq3A_423 : i32 to vector<16xi32>
      %eq3A_425 = arith.cmpi eq, %iota3A, %eq3A_424 : vector<16xi32>
      %reduce_sum3A_426 = arith.constant true
      %reduce_sum3A_427 = vector.broadcast %reduce_sum3A_426 : i1 to vector<16xi1>
      %reduce_sum3A_428 = tpu.scan <sum>, %add3A_422 masked %reduce_sum3A_427 : vector<16xf32>, vector<16xi1> -> vector<16xf32>
      %reduce_sum3A_429 = vector.extract %reduce_sum3A_428[15] : f32 from vector<16xf32>
      %broadcast_in_dim3A_430 = vector.broadcast %reduce_sum3A_429 : f32 to vector<16xf32>
      %select_n3A_431 = arith.select %eq3A_425, %broadcast_in_dim3A_430, %select_n3A_373 : vector<16xi1>, vector<16xf32>
      %add3A_432 = arith.constant 7 : i32
      %add3A_433 = arith.addi %mul3A_28, %add3A_432 : i32
      %get3A_434 = arith.constant 0 : i32
      %get3A_435 = tpu.memref_slice %arg11[%add3A_433, %get3A_434] : memref<512x64xf32, #tpu.memory_space<vmem>> -> memref<1x64xf32, #tpu.memory_space<vmem>>
      %get3A_436 = tpu.memref_squeeze %get3A_435 : memref<1x64xf32, #tpu.memory_space<vmem>> -> memref<64xf32, #tpu.memory_space<vmem>>
      %get3A_437 = arith.constant 0 : index
      %get3A_438 = tpu.vector_load %get3A_436[%get3A_437] {strides = array<i32>} : memref<64xf32, #tpu.memory_space<vmem>>, vector<16xf32>,
      %get3A_439 = arith.constant 0 : i32
      %get3A_440 = tpu.memref_slice %arg12[%add3A_433, %get3A_439] : memref<512x64xf32, #tpu.memory_space<vmem>> -> memref<1x64xf32, #tpu.memory_space<vmem>>
      %get3A_441 = tpu.memref_squeeze %get3A_440 : memref<1x64xf32, #tpu.memory_space<vmem>> -> memref<64xf32, #tpu.memory_space<vmem>>
      %get3A_442 = arith.constant 0 : index
      %get3A_443 = tpu.vector_load %get3A_441[%get3A_442] {strides = array<i32>} : memref<64xf32, #tpu.memory_space<vmem>>, vector<16xf32>,
      %mul3A_444 = arith.mulf %get3A_438, %get3A_443 : vector<16xf32>
      %get3A_445 = arith.constant 0 : i32
      %get3A_446 = tpu.memref_slice %arg11[%add3A_433, %get3A_445] : memref<512x64xf32, #tpu.memory_space<vmem>> -> memref<1x64xf32, #tpu.memory_space<vmem>>
      %get3A_447 = tpu.memref_squeeze %get3A_446 : memref<1x64xf32, #tpu.memory_space<vmem>> -> memref<64xf32, #tpu.memory_space<vmem>>
      %get3A_448 = arith.constant 16 : index
      %get3A_449 = tpu.vector_load %get3A_447[%get3A_448] {strides = array<i32>} : memref<64xf32, #tpu.memory_space<vmem>>, vector<16xf32>,
      %get3A_450 = arith.constant 0 : i32
      %get3A_451 = tpu.memref_slice %arg12[%add3A_433, %get3A_450] : memref<512x64xf32, #tpu.memory_space<vmem>> -> memref<1x64xf32, #tpu.memory_space<vmem>>
      %get3A_452 = tpu.memref_squeeze %get3A_451 : memref<1x64xf32, #tpu.memory_space<vmem>> -> memref<64xf32, #tpu.memory_space<vmem>>
      %get3A_453 = arith.constant 16 : index
      %get3A_454 = tpu.vector_load %get3A_452[%get3A_453] {strides = array<i32>} : memref<64xf32, #tpu.memory_space<vmem>>, vector<16xf32>,
      %mul3A_455 = arith.mulf %get3A_449, %get3A_454 : vector<16xf32>
      %add3A_456 = arith.addf %mul3A_444, %mul3A_455 : vector<16xf32>
      %get3A_457 = arith.constant 0 : i32
      %get3A_458 = tpu.memref_slice %arg11[%add3A_433, %get3A_457] : memref<512x64xf32, #tpu.memory_space<vmem>> -> memref<1x64xf32, #tpu.memory_space<vmem>>
      %get3A_459 = tpu.memref_squeeze %get3A_458 : memref<1x64xf32, #tpu.memory_space<vmem>> -> memref<64xf32, #tpu.memory_space<vmem>>
      %get3A_460 = arith.constant 32 : index
      %get3A_461 = tpu.vector_load %get3A_459[%get3A_460] {strides = array<i32>} : memref<64xf32, #tpu.memory_space<vmem>>, vector<16xf32>,
      %get3A_462 = arith.constant 0 : i32
      %get3A_463 = tpu.memref_slice %arg12[%add3A_433, %get3A_462] : memref<512x64xf32, #tpu.memory_space<vmem>> -> memref<1x64xf32, #tpu.memory_space<vmem>>
      %get3A_464 = tpu.memref_squeeze %get3A_463 : memref<1x64xf32, #tpu.memory_space<vmem>> -> memref<64xf32, #tpu.memory_space<vmem>>
      %get3A_465 = arith.constant 32 : index
      %get3A_466 = tpu.vector_load %get3A_464[%get3A_465] {strides = array<i32>} : memref<64xf32, #tpu.memory_space<vmem>>, vector<16xf32>,
      %mul3A_467 = arith.mulf %get3A_461, %get3A_466 : vector<16xf32>
      %add3A_468 = arith.addf %add3A_456, %mul3A_467 : vector<16xf32>
      %get3A_469 = arith.constant 0 : i32
      %get3A_470 = tpu.memref_slice %arg11[%add3A_433, %get3A_469] : memref<512x64xf32, #tpu.memory_space<vmem>> -> memref<1x64xf32, #tpu.memory_space<vmem>>
      %get3A_471 = tpu.memref_squeeze %get3A_470 : memref<1x64xf32, #tpu.memory_space<vmem>> -> memref<64xf32, #tpu.memory_space<vmem>>
      %get3A_472 = arith.constant 48 : index
      %get3A_473 = tpu.vector_load %get3A_471[%get3A_472] {strides = array<i32>} : memref<64xf32, #tpu.memory_space<vmem>>, vector<16xf32>,
      %get3A_474 = arith.constant 0 : i32
      %get3A_475 = tpu.memref_slice %arg12[%add3A_433, %get3A_474] : memref<512x64xf32, #tpu.memory_space<vmem>> -> memref<1x64xf32, #tpu.memory_space<vmem>>
      %get3A_476 = tpu.memref_squeeze %get3A_475 : memref<1x64xf32, #tpu.memory_space<vmem>> -> memref<64xf32, #tpu.memory_space<vmem>>
      %get3A_477 = arith.constant 48 : index
      %get3A_478 = tpu.vector_load %get3A_476[%get3A_477] {strides = array<i32>} : memref<64xf32, #tpu.memory_space<vmem>>, vector<16xf32>,
      %mul3A_479 = arith.mulf %get3A_473, %get3A_478 : vector<16xf32>
      %add3A_480 = arith.addf %add3A_468, %mul3A_479 : vector<16xf32>
      %eq3A_481 = arith.constant 7 : i32
      %eq3A_482 = vector.broadcast %eq3A_481 : i32 to vector<16xi32>
      %eq3A_483 = arith.cmpi eq, %iota3A, %eq3A_482 : vector<16xi32>
      %reduce_sum3A_484 = arith.constant true
      %reduce_sum3A_485 = vector.broadcast %reduce_sum3A_484 : i1 to vector<16xi1>
      %reduce_sum3A_486 = tpu.scan <sum>, %add3A_480 masked %reduce_sum3A_485 : vector<16xf32>, vector<16xi1> -> vector<16xf32>
      %reduce_sum3A_487 = vector.extract %reduce_sum3A_486[15] : f32 from vector<16xf32>
      %broadcast_in_dim3A_488 = vector.broadcast %reduce_sum3A_487 : f32 to vector<16xf32>
      %select_n3A_489 = arith.select %eq3A_483, %broadcast_in_dim3A_488, %select_n3A_431 : vector<16xi1>, vector<16xf32>
      %add3A_490 = arith.constant 8 : i32
      %add3A_491 = arith.addi %mul3A_28, %add3A_490 : i32
      %get3A_492 = arith.constant 0 : i32
      %get3A_493 = tpu.memref_slice %arg11[%add3A_491, %get3A_492] : memref<512x64xf32, #tpu.memory_space<vmem>> -> memref<1x64xf32, #tpu.memory_space<vmem>>
      %get3A_494 = tpu.memref_squeeze %get3A_493 : memref<1x64xf32, #tpu.memory_space<vmem>> -> memref<64xf32, #tpu.memory_space<vmem>>
      %get3A_495 = arith.constant 0 : index
      %get3A_496 = tpu.vector_load %get3A_494[%get3A_495] {strides = array<i32>} : memref<64xf32, #tpu.memory_space<vmem>>, vector<16xf32>,
      %get3A_497 = arith.constant 0 : i32
      %get3A_498 = tpu.memref_slice %arg12[%add3A_491, %get3A_497] : memref<512x64xf32, #tpu.memory_space<vmem>> -> memref<1x64xf32, #tpu.memory_space<vmem>>
      %get3A_499 = tpu.memref_squeeze %get3A_498 : memref<1x64xf32, #tpu.memory_space<vmem>> -> memref<64xf32, #tpu.memory_space<vmem>>
      %get3A_500 = arith.constant 0 : index
      %get3A_501 = tpu.vector_load %get3A_499[%get3A_500] {strides = array<i32>} : memref<64xf32, #tpu.memory_space<vmem>>, vector<16xf32>,
      %mul3A_502 = arith.mulf %get3A_496, %get3A_501 : vector<16xf32>
      %get3A_503 = arith.constant 0 : i32
      %get3A_504 = tpu.memref_slice %arg11[%add3A_491, %get3A_503] : memref<512x64xf32, #tpu.memory_space<vmem>> -> memref<1x64xf32, #tpu.memory_space<vmem>>
      %get3A_505 = tpu.memref_squeeze %get3A_504 : memref<1x64xf32, #tpu.memory_space<vmem>> -> memref<64xf32, #tpu.memory_space<vmem>>
      %get3A_506 = arith.constant 16 : index
      %get3A_507 = tpu.vector_load %get3A_505[%get3A_506] {strides = array<i32>} : memref<64xf32, #tpu.memory_space<vmem>>, vector<16xf32>,
      %get3A_508 = arith.constant 0 : i32
      %get3A_509 = tpu.memref_slice %arg12[%add3A_491, %get3A_508] : memref<512x64xf32, #tpu.memory_space<vmem>> -> memref<1x64xf32, #tpu.memory_space<vmem>>
      %get3A_510 = tpu.memref_squeeze %get3A_509 : memref<1x64xf32, #tpu.memory_space<vmem>> -> memref<64xf32, #tpu.memory_space<vmem>>
      %get3A_511 = arith.constant 16 : index
      %get3A_512 = tpu.vector_load %get3A_510[%get3A_511] {strides = array<i32>} : memref<64xf32, #tpu.memory_space<vmem>>, vector<16xf32>,
      %mul3A_513 = arith.mulf %get3A_507, %get3A_512 : vector<16xf32>
      %add3A_514 = arith.addf %mul3A_502, %mul3A_513 : vector<16xf32>
      %get3A_515 = arith.constant 0 : i32
      %get3A_516 = tpu.memref_slice %arg11[%add3A_491, %get3A_515] : memref<512x64xf32, #tpu.memory_space<vmem>> -> memref<1x64xf32, #tpu.memory_space<vmem>>
      %get3A_517 = tpu.memref_squeeze %get3A_516 : memref<1x64xf32, #tpu.memory_space<vmem>> -> memref<64xf32, #tpu.memory_space<vmem>>
      %get3A_518 = arith.constant 32 : index
      %get3A_519 = tpu.vector_load %get3A_517[%get3A_518] {strides = array<i32>} : memref<64xf32, #tpu.memory_space<vmem>>, vector<16xf32>,
      %get3A_520 = arith.constant 0 : i32
      %get3A_521 = tpu.memref_slice %arg12[%add3A_491, %get3A_520] : memref<512x64xf32, #tpu.memory_space<vmem>> -> memref<1x64xf32, #tpu.memory_space<vmem>>
      %get3A_522 = tpu.memref_squeeze %get3A_521 : memref<1x64xf32, #tpu.memory_space<vmem>> -> memref<64xf32, #tpu.memory_space<vmem>>
      %get3A_523 = arith.constant 32 : index
      %get3A_524 = tpu.vector_load %get3A_522[%get3A_523] {strides = array<i32>} : memref<64xf32, #tpu.memory_space<vmem>>, vector<16xf32>,
      %mul3A_525 = arith.mulf %get3A_519, %get3A_524 : vector<16xf32>
      %add3A_526 = arith.addf %add3A_514, %mul3A_525 : vector<16xf32>
      %get3A_527 = arith.constant 0 : i32
      %get3A_528 = tpu.memref_slice %arg11[%add3A_491, %get3A_527] : memref<512x64xf32, #tpu.memory_space<vmem>> -> memref<1x64xf32, #tpu.memory_space<vmem>>
      %get3A_529 = tpu.memref_squeeze %get3A_528 : memref<1x64xf32, #tpu.memory_space<vmem>> -> memref<64xf32, #tpu.memory_space<vmem>>
      %get3A_530 = arith.constant 48 : index
      %get3A_531 = tpu.vector_load %get3A_529[%get3A_530] {strides = array<i32>} : memref<64xf32, #tpu.memory_space<vmem>>, vector<16xf32>,
      %get3A_532 = arith.constant 0 : i32
      %get3A_533 = tpu.memref_slice %arg12[%add3A_491, %get3A_532] : memref<512x64xf32, #tpu.memory_space<vmem>> -> memref<1x64xf32, #tpu.memory_space<vmem>>
      %get3A_534 = tpu.memref_squeeze %get3A_533 : memref<1x64xf32, #tpu.memory_space<vmem>> -> memref<64xf32, #tpu.memory_space<vmem>>
      %get3A_535 = arith.constant 48 : index
      %get3A_536 = tpu.vector_load %get3A_534[%get3A_535] {strides = array<i32>} : memref<64xf32, #tpu.memory_space<vmem>>, vector<16xf32>,
      %mul3A_537 = arith.mulf %get3A_531, %get3A_536 : vector<16xf32>
      %add3A_538 = arith.addf %add3A_526, %mul3A_537 : vector<16xf32>
      %eq3A_539 = arith.constant 8 : i32
      %eq3A_540 = vector.broadcast %eq3A_539 : i32 to vector<16xi32>
      %eq3A_541 = arith.cmpi eq, %iota3A, %eq3A_540 : vector<16xi32>
      %reduce_sum3A_542 = arith.constant true
      %reduce_sum3A_543 = vector.broadcast %reduce_sum3A_542 : i1 to vector<16xi1>
      %reduce_sum3A_544 = tpu.scan <sum>, %add3A_538 masked %reduce_sum3A_543 : vector<16xf32>, vector<16xi1> -> vector<16xf32>
      %reduce_sum3A_545 = vector.extract %reduce_sum3A_544[15] : f32 from vector<16xf32>
      %broadcast_in_dim3A_546 = vector.broadcast %reduce_sum3A_545 : f32 to vector<16xf32>
      %select_n3A_547 = arith.select %eq3A_541, %broadcast_in_dim3A_546, %select_n3A_489 : vector<16xi1>, vector<16xf32>
      %add3A_548 = arith.constant 9 : i32
      %add3A_549 = arith.addi %mul3A_28, %add3A_548 : i32
      %get3A_550 = arith.constant 0 : i32
      %get3A_551 = tpu.memref_slice %arg11[%add3A_549, %get3A_550] : memref<512x64xf32, #tpu.memory_space<vmem>> -> memref<1x64xf32, #tpu.memory_space<vmem>>
      %get3A_552 = tpu.memref_squeeze %get3A_551 : memref<1x64xf32, #tpu.memory_space<vmem>> -> memref<64xf32, #tpu.memory_space<vmem>>
      %get3A_553 = arith.constant 0 : index
      %get3A_554 = tpu.vector_load %get3A_552[%get3A_553] {strides = array<i32>} : memref<64xf32, #tpu.memory_space<vmem>>, vector<16xf32>,
      %get3A_555 = arith.constant 0 : i32
      %get3A_556 = tpu.memref_slice %arg12[%add3A_549, %get3A_555] : memref<512x64xf32, #tpu.memory_space<vmem>> -> memref<1x64xf32, #tpu.memory_space<vmem>>
      %get3A_557 = tpu.memref_squeeze %get3A_556 : memref<1x64xf32, #tpu.memory_space<vmem>> -> memref<64xf32, #tpu.memory_space<vmem>>
      %get3A_558 = arith.constant 0 : index
      %get3A_559 = tpu.vector_load %get3A_557[%get3A_558] {strides = array<i32>} : memref<64xf32, #tpu.memory_space<vmem>>, vector<16xf32>,
      %mul3A_560 = arith.mulf %get3A_554, %get3A_559 : vector<16xf32>
      %get3A_561 = arith.constant 0 : i32
      %get3A_562 = tpu.memref_slice %arg11[%add3A_549, %get3A_561] : memref<512x64xf32, #tpu.memory_space<vmem>> -> memref<1x64xf32, #tpu.memory_space<vmem>>
      %get3A_563 = tpu.memref_squeeze %get3A_562 : memref<1x64xf32, #tpu.memory_space<vmem>> -> memref<64xf32, #tpu.memory_space<vmem>>
      %get3A_564 = arith.constant 16 : index
      %get3A_565 = tpu.vector_load %get3A_563[%get3A_564] {strides = array<i32>} : memref<64xf32, #tpu.memory_space<vmem>>, vector<16xf32>,
      %get3A_566 = arith.constant 0 : i32
      %get3A_567 = tpu.memref_slice %arg12[%add3A_549, %get3A_566] : memref<512x64xf32, #tpu.memory_space<vmem>> -> memref<1x64xf32, #tpu.memory_space<vmem>>
      %get3A_568 = tpu.memref_squeeze %get3A_567 : memref<1x64xf32, #tpu.memory_space<vmem>> -> memref<64xf32, #tpu.memory_space<vmem>>
      %get3A_569 = arith.constant 16 : index
      %get3A_570 = tpu.vector_load %get3A_568[%get3A_569] {strides = array<i32>} : memref<64xf32, #tpu.memory_space<vmem>>, vector<16xf32>,
      %mul3A_571 = arith.mulf %get3A_565, %get3A_570 : vector<16xf32>
      %add3A_572 = arith.addf %mul3A_560, %mul3A_571 : vector<16xf32>
      %get3A_573 = arith.constant 0 : i32
      %get3A_574 = tpu.memref_slice %arg11[%add3A_549, %get3A_573] : memref<512x64xf32, #tpu.memory_space<vmem>> -> memref<1x64xf32, #tpu.memory_space<vmem>>
      %get3A_575 = tpu.memref_squeeze %get3A_574 : memref<1x64xf32, #tpu.memory_space<vmem>> -> memref<64xf32, #tpu.memory_space<vmem>>
      %get3A_576 = arith.constant 32 : index
      %get3A_577 = tpu.vector_load %get3A_575[%get3A_576] {strides = array<i32>} : memref<64xf32, #tpu.memory_space<vmem>>, vector<16xf32>,
      %get3A_578 = arith.constant 0 : i32
      %get3A_579 = tpu.memref_slice %arg12[%add3A_549, %get3A_578] : memref<512x64xf32, #tpu.memory_space<vmem>> -> memref<1x64xf32, #tpu.memory_space<vmem>>
      %get3A_580 = tpu.memref_squeeze %get3A_579 : memref<1x64xf32, #tpu.memory_space<vmem>> -> memref<64xf32, #tpu.memory_space<vmem>>
      %get3A_581 = arith.constant 32 : index
      %get3A_582 = tpu.vector_load %get3A_580[%get3A_581] {strides = array<i32>} : memref<64xf32, #tpu.memory_space<vmem>>, vector<16xf32>,
      %mul3A_583 = arith.mulf %get3A_577, %get3A_582 : vector<16xf32>
      %add3A_584 = arith.addf %add3A_572, %mul3A_583 : vector<16xf32>
      %get3A_585 = arith.constant 0 : i32
      %get3A_586 = tpu.memref_slice %arg11[%add3A_549, %get3A_585] : memref<512x64xf32, #tpu.memory_space<vmem>> -> memref<1x64xf32, #tpu.memory_space<vmem>>
      %get3A_587 = tpu.memref_squeeze %get3A_586 : memref<1x64xf32, #tpu.memory_space<vmem>> -> memref<64xf32, #tpu.memory_space<vmem>>
      %get3A_588 = arith.constant 48 : index
      %get3A_589 = tpu.vector_load %get3A_587[%get3A_588] {strides = array<i32>} : memref<64xf32, #tpu.memory_space<vmem>>, vector<16xf32>,
      %get3A_590 = arith.constant 0 : i32
      %get3A_591 = tpu.memref_slice %arg12[%add3A_549, %get3A_590] : memref<512x64xf32, #tpu.memory_space<vmem>> -> memref<1x64xf32, #tpu.memory_space<vmem>>
      %get3A_592 = tpu.memref_squeeze %get3A_591 : memref<1x64xf32, #tpu.memory_space<vmem>> -> memref<64xf32, #tpu.memory_space<vmem>>
      %get3A_593 = arith.constant 48 : index
      %get3A_594 = tpu.vector_load %get3A_592[%get3A_593] {strides = array<i32>} : memref<64xf32, #tpu.memory_space<vmem>>, vector<16xf32>,
      %mul3A_595 = arith.mulf %get3A_589, %get3A_594 : vector<16xf32>
      %add3A_596 = arith.addf %add3A_584, %mul3A_595 : vector<16xf32>
      %eq3A_597 = arith.constant 9 : i32
      %eq3A_598 = vector.broadcast %eq3A_597 : i32 to vector<16xi32>
      %eq3A_599 = arith.cmpi eq, %iota3A, %eq3A_598 : vector<16xi32>
      %reduce_sum3A_600 = arith.constant true
      %reduce_sum3A_601 = vector.broadcast %reduce_sum3A_600 : i1 to vector<16xi1>
      %reduce_sum3A_602 = tpu.scan <sum>, %add3A_596 masked %reduce_sum3A_601 : vector<16xf32>, vector<16xi1> -> vector<16xf32>
      %reduce_sum3A_603 = vector.extract %reduce_sum3A_602[15] : f32 from vector<16xf32>
      %broadcast_in_dim3A_604 = vector.broadcast %reduce_sum3A_603 : f32 to vector<16xf32>
      %select_n3A_605 = arith.select %eq3A_599, %broadcast_in_dim3A_604, %select_n3A_547 : vector<16xi1>, vector<16xf32>
      %add3A_606 = arith.constant 10 : i32
      %add3A_607 = arith.addi %mul3A_28, %add3A_606 : i32
      %get3A_608 = arith.constant 0 : i32
      %get3A_609 = tpu.memref_slice %arg11[%add3A_607, %get3A_608] : memref<512x64xf32, #tpu.memory_space<vmem>> -> memref<1x64xf32, #tpu.memory_space<vmem>>
      %get3A_610 = tpu.memref_squeeze %get3A_609 : memref<1x64xf32, #tpu.memory_space<vmem>> -> memref<64xf32, #tpu.memory_space<vmem>>
      %get3A_611 = arith.constant 0 : index
      %get3A_612 = tpu.vector_load %get3A_610[%get3A_611] {strides = array<i32>} : memref<64xf32, #tpu.memory_space<vmem>>, vector<16xf32>,
      %get3A_613 = arith.constant 0 : i32
      %get3A_614 = tpu.memref_slice %arg12[%add3A_607, %get3A_613] : memref<512x64xf32, #tpu.memory_space<vmem>> -> memref<1x64xf32, #tpu.memory_space<vmem>>
      %get3A_615 = tpu.memref_squeeze %get3A_614 : memref<1x64xf32, #tpu.memory_space<vmem>> -> memref<64xf32, #tpu.memory_space<vmem>>
      %get3A_616 = arith.constant 0 : index
      %get3A_617 = tpu.vector_load %get3A_615[%get3A_616] {strides = array<i32>} : memref<64xf32, #tpu.memory_space<vmem>>, vector<16xf32>,
      %mul3A_618 = arith.mulf %get3A_612, %get3A_617 : vector<16xf32>
      %get3A_619 = arith.constant 0 : i32
      %get3A_620 = tpu.memref_slice %arg11[%add3A_607, %get3A_619] : memref<512x64xf32, #tpu.memory_space<vmem>> -> memref<1x64xf32, #tpu.memory_space<vmem>>
      %get3A_621 = tpu.memref_squeeze %get3A_620 : memref<1x64xf32, #tpu.memory_space<vmem>> -> memref<64xf32, #tpu.memory_space<vmem>>
      %get3A_622 = arith.constant 16 : index
      %get3A_623 = tpu.vector_load %get3A_621[%get3A_622] {strides = array<i32>} : memref<64xf32, #tpu.memory_space<vmem>>, vector<16xf32>,
      %get3A_624 = arith.constant 0 : i32
      %get3A_625 = tpu.memref_slice %arg12[%add3A_607, %get3A_624] : memref<512x64xf32, #tpu.memory_space<vmem>> -> memref<1x64xf32, #tpu.memory_space<vmem>>
      %get3A_626 = tpu.memref_squeeze %get3A_625 : memref<1x64xf32, #tpu.memory_space<vmem>> -> memref<64xf32, #tpu.memory_space<vmem>>
      %get3A_627 = arith.constant 16 : index
      %get3A_628 = tpu.vector_load %get3A_626[%get3A_627] {strides = array<i32>} : memref<64xf32, #tpu.memory_space<vmem>>, vector<16xf32>,
      %mul3A_629 = arith.mulf %get3A_623, %get3A_628 : vector<16xf32>
      %add3A_630 = arith.addf %mul3A_618, %mul3A_629 : vector<16xf32>
      %get3A_631 = arith.constant 0 : i32
      %get3A_632 = tpu.memref_slice %arg11[%add3A_607, %get3A_631] : memref<512x64xf32, #tpu.memory_space<vmem>> -> memref<1x64xf32, #tpu.memory_space<vmem>>
      %get3A_633 = tpu.memref_squeeze %get3A_632 : memref<1x64xf32, #tpu.memory_space<vmem>> -> memref<64xf32, #tpu.memory_space<vmem>>
      %get3A_634 = arith.constant 32 : index
      %get3A_635 = tpu.vector_load %get3A_633[%get3A_634] {strides = array<i32>} : memref<64xf32, #tpu.memory_space<vmem>>, vector<16xf32>,
      %get3A_636 = arith.constant 0 : i32
      %get3A_637 = tpu.memref_slice %arg12[%add3A_607, %get3A_636] : memref<512x64xf32, #tpu.memory_space<vmem>> -> memref<1x64xf32, #tpu.memory_space<vmem>>
      %get3A_638 = tpu.memref_squeeze %get3A_637 : memref<1x64xf32, #tpu.memory_space<vmem>> -> memref<64xf32, #tpu.memory_space<vmem>>
      %get3A_639 = arith.constant 32 : index
      %get3A_640 = tpu.vector_load %get3A_638[%get3A_639] {strides = array<i32>} : memref<64xf32, #tpu.memory_space<vmem>>, vector<16xf32>,
      %mul3A_641 = arith.mulf %get3A_635, %get3A_640 : vector<16xf32>
      %add3A_642 = arith.addf %add3A_630, %mul3A_641 : vector<16xf32>
      %get3A_643 = arith.constant 0 : i32
      %get3A_644 = tpu.memref_slice %arg11[%add3A_607, %get3A_643] : memref<512x64xf32, #tpu.memory_space<vmem>> -> memref<1x64xf32, #tpu.memory_space<vmem>>
      %get3A_645 = tpu.memref_squeeze %get3A_644 : memref<1x64xf32, #tpu.memory_space<vmem>> -> memref<64xf32, #tpu.memory_space<vmem>>
      %get3A_646 = arith.constant 48 : index
      %get3A_647 = tpu.vector_load %get3A_645[%get3A_646] {strides = array<i32>} : memref<64xf32, #tpu.memory_space<vmem>>, vector<16xf32>,
      %get3A_648 = arith.constant 0 : i32
      %get3A_649 = tpu.memref_slice %arg12[%add3A_607, %get3A_648] : memref<512x64xf32, #tpu.memory_space<vmem>> -> memref<1x64xf32, #tpu.memory_space<vmem>>
      %get3A_650 = tpu.memref_squeeze %get3A_649 : memref<1x64xf32, #tpu.memory_space<vmem>> -> memref<64xf32, #tpu.memory_space<vmem>>
      %get3A_651 = arith.constant 48 : index
      %get3A_652 = tpu.vector_load %get3A_650[%get3A_651] {strides = array<i32>} : memref<64xf32, #tpu.memory_space<vmem>>, vector<16xf32>,
      %mul3A_653 = arith.mulf %get3A_647, %get3A_652 : vector<16xf32>
      %add3A_654 = arith.addf %add3A_642, %mul3A_653 : vector<16xf32>
      %eq3A_655 = arith.constant 10 : i32
      %eq3A_656 = vector.broadcast %eq3A_655 : i32 to vector<16xi32>
      %eq3A_657 = arith.cmpi eq, %iota3A, %eq3A_656 : vector<16xi32>
      %reduce_sum3A_658 = arith.constant true
      %reduce_sum3A_659 = vector.broadcast %reduce_sum3A_658 : i1 to vector<16xi1>
      %reduce_sum3A_660 = tpu.scan <sum>, %add3A_654 masked %reduce_sum3A_659 : vector<16xf32>, vector<16xi1> -> vector<16xf32>
      %reduce_sum3A_661 = vector.extract %reduce_sum3A_660[15] : f32 from vector<16xf32>
      %broadcast_in_dim3A_662 = vector.broadcast %reduce_sum3A_661 : f32 to vector<16xf32>
      %select_n3A_663 = arith.select %eq3A_657, %broadcast_in_dim3A_662, %select_n3A_605 : vector<16xi1>, vector<16xf32>
      %add3A_664 = arith.constant 11 : i32
      %add3A_665 = arith.addi %mul3A_28, %add3A_664 : i32
      %get3A_666 = arith.constant 0 : i32
      %get3A_667 = tpu.memref_slice %arg11[%add3A_665, %get3A_666] : memref<512x64xf32, #tpu.memory_space<vmem>> -> memref<1x64xf32, #tpu.memory_space<vmem>>
      %get3A_668 = tpu.memref_squeeze %get3A_667 : memref<1x64xf32, #tpu.memory_space<vmem>> -> memref<64xf32, #tpu.memory_space<vmem>>
      %get3A_669 = arith.constant 0 : index
      %get3A_670 = tpu.vector_load %get3A_668[%get3A_669] {strides = array<i32>} : memref<64xf32, #tpu.memory_space<vmem>>, vector<16xf32>,
      %get3A_671 = arith.constant 0 : i32
      %get3A_672 = tpu.memref_slice %arg12[%add3A_665, %get3A_671] : memref<512x64xf32, #tpu.memory_space<vmem>> -> memref<1x64xf32, #tpu.memory_space<vmem>>
      %get3A_673 = tpu.memref_squeeze %get3A_672 : memref<1x64xf32, #tpu.memory_space<vmem>> -> memref<64xf32, #tpu.memory_space<vmem>>
      %get3A_674 = arith.constant 0 : index
      %get3A_675 = tpu.vector_load %get3A_673[%get3A_674] {strides = array<i32>} : memref<64xf32, #tpu.memory_space<vmem>>, vector<16xf32>,
      %mul3A_676 = arith.mulf %get3A_670, %get3A_675 : vector<16xf32>
      %get3A_677 = arith.constant 0 : i32
      %get3A_678 = tpu.memref_slice %arg11[%add3A_665, %get3A_677] : memref<512x64xf32, #tpu.memory_space<vmem>> -> memref<1x64xf32, #tpu.memory_space<vmem>>
      %get3A_679 = tpu.memref_squeeze %get3A_678 : memref<1x64xf32, #tpu.memory_space<vmem>> -> memref<64xf32, #tpu.memory_space<vmem>>
      %get3A_680 = arith.constant 16 : index
      %get3A_681 = tpu.vector_load %get3A_679[%get3A_680] {strides = array<i32>} : memref<64xf32, #tpu.memory_space<vmem>>, vector<16xf32>,
      %get3A_682 = arith.constant 0 : i32
      %get3A_683 = tpu.memref_slice %arg12[%add3A_665, %get3A_682] : memref<512x64xf32, #tpu.memory_space<vmem>> -> memref<1x64xf32, #tpu.memory_space<vmem>>
      %get3A_684 = tpu.memref_squeeze %get3A_683 : memref<1x64xf32, #tpu.memory_space<vmem>> -> memref<64xf32, #tpu.memory_space<vmem>>
      %get3A_685 = arith.constant 16 : index
      %get3A_686 = tpu.vector_load %get3A_684[%get3A_685] {strides = array<i32>} : memref<64xf32, #tpu.memory_space<vmem>>, vector<16xf32>,
      %mul3A_687 = arith.mulf %get3A_681, %get3A_686 : vector<16xf32>
      %add3A_688 = arith.addf %mul3A_676, %mul3A_687 : vector<16xf32>
      %get3A_689 = arith.constant 0 : i32
      %get3A_690 = tpu.memref_slice %arg11[%add3A_665, %get3A_689] : memref<512x64xf32, #tpu.memory_space<vmem>> -> memref<1x64xf32, #tpu.memory_space<vmem>>
      %get3A_691 = tpu.memref_squeeze %get3A_690 : memref<1x64xf32, #tpu.memory_space<vmem>> -> memref<64xf32, #tpu.memory_space<vmem>>
      %get3A_692 = arith.constant 32 : index
      %get3A_693 = tpu.vector_load %get3A_691[%get3A_692] {strides = array<i32>} : memref<64xf32, #tpu.memory_space<vmem>>, vector<16xf32>,
      %get3A_694 = arith.constant 0 : i32
      %get3A_695 = tpu.memref_slice %arg12[%add3A_665, %get3A_694] : memref<512x64xf32, #tpu.memory_space<vmem>> -> memref<1x64xf32, #tpu.memory_space<vmem>>
      %get3A_696 = tpu.memref_squeeze %get3A_695 : memref<1x64xf32, #tpu.memory_space<vmem>> -> memref<64xf32, #tpu.memory_space<vmem>>
      %get3A_697 = arith.constant 32 : index
      %get3A_698 = tpu.vector_load %get3A_696[%get3A_697] {strides = array<i32>} : memref<64xf32, #tpu.memory_space<vmem>>, vector<16xf32>,
      %mul3A_699 = arith.mulf %get3A_693, %get3A_698 : vector<16xf32>
      %add3A_700 = arith.addf %add3A_688, %mul3A_699 : vector<16xf32>
      %get3A_701 = arith.constant 0 : i32
      %get3A_702 = tpu.memref_slice %arg11[%add3A_665, %get3A_701] : memref<512x64xf32, #tpu.memory_space<vmem>> -> memref<1x64xf32, #tpu.memory_space<vmem>>
      %get3A_703 = tpu.memref_squeeze %get3A_702 : memref<1x64xf32, #tpu.memory_space<vmem>> -> memref<64xf32, #tpu.memory_space<vmem>>
      %get3A_704 = arith.constant 48 : index
      %get3A_705 = tpu.vector_load %get3A_703[%get3A_704] {strides = array<i32>} : memref<64xf32, #tpu.memory_space<vmem>>, vector<16xf32>,
      %get3A_706 = arith.constant 0 : i32
      %get3A_707 = tpu.memref_slice %arg12[%add3A_665, %get3A_706] : memref<512x64xf32, #tpu.memory_space<vmem>> -> memref<1x64xf32, #tpu.memory_space<vmem>>
      %get3A_708 = tpu.memref_squeeze %get3A_707 : memref<1x64xf32, #tpu.memory_space<vmem>> -> memref<64xf32, #tpu.memory_space<vmem>>
      %get3A_709 = arith.constant 48 : index
      %get3A_710 = tpu.vector_load %get3A_708[%get3A_709] {strides = array<i32>} : memref<64xf32, #tpu.memory_space<vmem>>, vector<16xf32>,
      %mul3A_711 = arith.mulf %get3A_705, %get3A_710 : vector<16xf32>
      %add3A_712 = arith.addf %add3A_700, %mul3A_711 : vector<16xf32>
      %eq3A_713 = arith.constant 11 : i32
      %eq3A_714 = vector.broadcast %eq3A_713 : i32 to vector<16xi32>
      %eq3A_715 = arith.cmpi eq, %iota3A, %eq3A_714 : vector<16xi32>
      %reduce_sum3A_716 = arith.constant true
      %reduce_sum3A_717 = vector.broadcast %reduce_sum3A_716 : i1 to vector<16xi1>
      %reduce_sum3A_718 = tpu.scan <sum>, %add3A_712 masked %reduce_sum3A_717 : vector<16xf32>, vector<16xi1> -> vector<16xf32>
      %reduce_sum3A_719 = vector.extract %reduce_sum3A_718[15] : f32 from vector<16xf32>
      %broadcast_in_dim3A_720 = vector.broadcast %reduce_sum3A_719 : f32 to vector<16xf32>
      %select_n3A_721 = arith.select %eq3A_715, %broadcast_in_dim3A_720, %select_n3A_663 : vector<16xi1>, vector<16xf32>
      %add3A_722 = arith.constant 12 : i32
      %add3A_723 = arith.addi %mul3A_28, %add3A_722 : i32
      %get3A_724 = arith.constant 0 : i32
      %get3A_725 = tpu.memref_slice %arg11[%add3A_723, %get3A_724] : memref<512x64xf32, #tpu.memory_space<vmem>> -> memref<1x64xf32, #tpu.memory_space<vmem>>
      %get3A_726 = tpu.memref_squeeze %get3A_725 : memref<1x64xf32, #tpu.memory_space<vmem>> -> memref<64xf32, #tpu.memory_space<vmem>>
      %get3A_727 = arith.constant 0 : index
      %get3A_728 = tpu.vector_load %get3A_726[%get3A_727] {strides = array<i32>} : memref<64xf32, #tpu.memory_space<vmem>>, vector<16xf32>,
      %get3A_729 = arith.constant 0 : i32
      %get3A_730 = tpu.memref_slice %arg12[%add3A_723, %get3A_729] : memref<512x64xf32, #tpu.memory_space<vmem>> -> memref<1x64xf32, #tpu.memory_space<vmem>>
      %get3A_731 = tpu.memref_squeeze %get3A_730 : memref<1x64xf32, #tpu.memory_space<vmem>> -> memref<64xf32, #tpu.memory_space<vmem>>
      %get3A_732 = arith.constant 0 : index
      %get3A_733 = tpu.vector_load %get3A_731[%get3A_732] {strides = array<i32>} : memref<64xf32, #tpu.memory_space<vmem>>, vector<16xf32>,
      %mul3A_734 = arith.mulf %get3A_728, %get3A_733 : vector<16xf32>
      %get3A_735 = arith.constant 0 : i32
      %get3A_736 = tpu.memref_slice %arg11[%add3A_723, %get3A_735] : memref<512x64xf32, #tpu.memory_space<vmem>> -> memref<1x64xf32, #tpu.memory_space<vmem>>
      %get3A_737 = tpu.memref_squeeze %get3A_736 : memref<1x64xf32, #tpu.memory_space<vmem>> -> memref<64xf32, #tpu.memory_space<vmem>>
      %get3A_738 = arith.constant 16 : index
      %get3A_739 = tpu.vector_load %get3A_737[%get3A_738] {strides = array<i32>} : memref<64xf32, #tpu.memory_space<vmem>>, vector<16xf32>,
      %get3A_740 = arith.constant 0 : i32
      %get3A_741 = tpu.memref_slice %arg12[%add3A_723, %get3A_740] : memref<512x64xf32, #tpu.memory_space<vmem>> -> memref<1x64xf32, #tpu.memory_space<vmem>>
      %get3A_742 = tpu.memref_squeeze %get3A_741 : memref<1x64xf32, #tpu.memory_space<vmem>> -> memref<64xf32, #tpu.memory_space<vmem>>
      %get3A_743 = arith.constant 16 : index
      %get3A_744 = tpu.vector_load %get3A_742[%get3A_743] {strides = array<i32>} : memref<64xf32, #tpu.memory_space<vmem>>, vector<16xf32>,
      %mul3A_745 = arith.mulf %get3A_739, %get3A_744 : vector<16xf32>
      %add3A_746 = arith.addf %mul3A_734, %mul3A_745 : vector<16xf32>
      %get3A_747 = arith.constant 0 : i32
      %get3A_748 = tpu.memref_slice %arg11[%add3A_723, %get3A_747] : memref<512x64xf32, #tpu.memory_space<vmem>> -> memref<1x64xf32, #tpu.memory_space<vmem>>
      %get3A_749 = tpu.memref_squeeze %get3A_748 : memref<1x64xf32, #tpu.memory_space<vmem>> -> memref<64xf32, #tpu.memory_space<vmem>>
      %get3A_750 = arith.constant 32 : index
      %get3A_751 = tpu.vector_load %get3A_749[%get3A_750] {strides = array<i32>} : memref<64xf32, #tpu.memory_space<vmem>>, vector<16xf32>,
      %get3A_752 = arith.constant 0 : i32
      %get3A_753 = tpu.memref_slice %arg12[%add3A_723, %get3A_752] : memref<512x64xf32, #tpu.memory_space<vmem>> -> memref<1x64xf32, #tpu.memory_space<vmem>>
      %get3A_754 = tpu.memref_squeeze %get3A_753 : memref<1x64xf32, #tpu.memory_space<vmem>> -> memref<64xf32, #tpu.memory_space<vmem>>
      %get3A_755 = arith.constant 32 : index
      %get3A_756 = tpu.vector_load %get3A_754[%get3A_755] {strides = array<i32>} : memref<64xf32, #tpu.memory_space<vmem>>, vector<16xf32>,
      %mul3A_757 = arith.mulf %get3A_751, %get3A_756 : vector<16xf32>
      %add3A_758 = arith.addf %add3A_746, %mul3A_757 : vector<16xf32>
      %get3A_759 = arith.constant 0 : i32
      %get3A_760 = tpu.memref_slice %arg11[%add3A_723, %get3A_759] : memref<512x64xf32, #tpu.memory_space<vmem>> -> memref<1x64xf32, #tpu.memory_space<vmem>>
      %get3A_761 = tpu.memref_squeeze %get3A_760 : memref<1x64xf32, #tpu.memory_space<vmem>> -> memref<64xf32, #tpu.memory_space<vmem>>
      %get3A_762 = arith.constant 48 : index
      %get3A_763 = tpu.vector_load %get3A_761[%get3A_762] {strides = array<i32>} : memref<64xf32, #tpu.memory_space<vmem>>, vector<16xf32>,
      %get3A_764 = arith.constant 0 : i32
      %get3A_765 = tpu.memref_slice %arg12[%add3A_723, %get3A_764] : memref<512x64xf32, #tpu.memory_space<vmem>> -> memref<1x64xf32, #tpu.memory_space<vmem>>
      %get3A_766 = tpu.memref_squeeze %get3A_765 : memref<1x64xf32, #tpu.memory_space<vmem>> -> memref<64xf32, #tpu.memory_space<vmem>>
      %get3A_767 = arith.constant 48 : index
      %get3A_768 = tpu.vector_load %get3A_766[%get3A_767] {strides = array<i32>} : memref<64xf32, #tpu.memory_space<vmem>>, vector<16xf32>,
      %mul3A_769 = arith.mulf %get3A_763, %get3A_768 : vector<16xf32>
      %add3A_770 = arith.addf %add3A_758, %mul3A_769 : vector<16xf32>
      %eq3A_771 = arith.constant 12 : i32
      %eq3A_772 = vector.broadcast %eq3A_771 : i32 to vector<16xi32>
      %eq3A_773 = arith.cmpi eq, %iota3A, %eq3A_772 : vector<16xi32>
      %reduce_sum3A_774 = arith.constant true
      %reduce_sum3A_775 = vector.broadcast %reduce_sum3A_774 : i1 to vector<16xi1>
      %reduce_sum3A_776 = tpu.scan <sum>, %add3A_770 masked %reduce_sum3A_775 : vector<16xf32>, vector<16xi1> -> vector<16xf32>
      %reduce_sum3A_777 = vector.extract %reduce_sum3A_776[15] : f32 from vector<16xf32>
      %broadcast_in_dim3A_778 = vector.broadcast %reduce_sum3A_777 : f32 to vector<16xf32>
      %select_n3A_779 = arith.select %eq3A_773, %broadcast_in_dim3A_778, %select_n3A_721 : vector<16xi1>, vector<16xf32>
      %add3A_780 = arith.constant 13 : i32
      %add3A_781 = arith.addi %mul3A_28, %add3A_780 : i32
      %get3A_782 = arith.constant 0 : i32
      %get3A_783 = tpu.memref_slice %arg11[%add3A_781, %get3A_782] : memref<512x64xf32, #tpu.memory_space<vmem>> -> memref<1x64xf32, #tpu.memory_space<vmem>>
      %get3A_784 = tpu.memref_squeeze %get3A_783 : memref<1x64xf32, #tpu.memory_space<vmem>> -> memref<64xf32, #tpu.memory_space<vmem>>
      %get3A_785 = arith.constant 0 : index
      %get3A_786 = tpu.vector_load %get3A_784[%get3A_785] {strides = array<i32>} : memref<64xf32, #tpu.memory_space<vmem>>, vector<16xf32>,
      %get3A_787 = arith.constant 0 : i32
      %get3A_788 = tpu.memref_slice %arg12[%add3A_781, %get3A_787] : memref<512x64xf32, #tpu.memory_space<vmem>> -> memref<1x64xf32, #tpu.memory_space<vmem>>
      %get3A_789 = tpu.memref_squeeze %get3A_788 : memref<1x64xf32, #tpu.memory_space<vmem>> -> memref<64xf32, #tpu.memory_space<vmem>>
      %get3A_790 = arith.constant 0 : index
      %get3A_791 = tpu.vector_load %get3A_789[%get3A_790] {strides = array<i32>} : memref<64xf32, #tpu.memory_space<vmem>>, vector<16xf32>,
      %mul3A_792 = arith.mulf %get3A_786, %get3A_791 : vector<16xf32>
      %get3A_793 = arith.constant 0 : i32
      %get3A_794 = tpu.memref_slice %arg11[%add3A_781, %get3A_793] : memref<512x64xf32, #tpu.memory_space<vmem>> -> memref<1x64xf32, #tpu.memory_space<vmem>>
      %get3A_795 = tpu.memref_squeeze %get3A_794 : memref<1x64xf32, #tpu.memory_space<vmem>> -> memref<64xf32, #tpu.memory_space<vmem>>
      %get3A_796 = arith.constant 16 : index
      %get3A_797 = tpu.vector_load %get3A_795[%get3A_796] {strides = array<i32>} : memref<64xf32, #tpu.memory_space<vmem>>, vector<16xf32>,
      %get3A_798 = arith.constant 0 : i32
      %get3A_799 = tpu.memref_slice %arg12[%add3A_781, %get3A_798] : memref<512x64xf32, #tpu.memory_space<vmem>> -> memref<1x64xf32, #tpu.memory_space<vmem>>
      %get3A_800 = tpu.memref_squeeze %get3A_799 : memref<1x64xf32, #tpu.memory_space<vmem>> -> memref<64xf32, #tpu.memory_space<vmem>>
      %get3A_801 = arith.constant 16 : index
      %get3A_802 = tpu.vector_load %get3A_800[%get3A_801] {strides = array<i32>} : memref<64xf32, #tpu.memory_space<vmem>>, vector<16xf32>,
      %mul3A_803 = arith.mulf %get3A_797, %get3A_802 : vector<16xf32>
      %add3A_804 = arith.addf %mul3A_792, %mul3A_803 : vector<16xf32>
      %get3A_805 = arith.constant 0 : i32
      %get3A_806 = tpu.memref_slice %arg11[%add3A_781, %get3A_805] : memref<512x64xf32, #tpu.memory_space<vmem>> -> memref<1x64xf32, #tpu.memory_space<vmem>>
      %get3A_807 = tpu.memref_squeeze %get3A_806 : memref<1x64xf32, #tpu.memory_space<vmem>> -> memref<64xf32, #tpu.memory_space<vmem>>
      %get3A_808 = arith.constant 32 : index
      %get3A_809 = tpu.vector_load %get3A_807[%get3A_808] {strides = array<i32>} : memref<64xf32, #tpu.memory_space<vmem>>, vector<16xf32>,
      %get3A_810 = arith.constant 0 : i32
      %get3A_811 = tpu.memref_slice %arg12[%add3A_781, %get3A_810] : memref<512x64xf32, #tpu.memory_space<vmem>> -> memref<1x64xf32, #tpu.memory_space<vmem>>
      %get3A_812 = tpu.memref_squeeze %get3A_811 : memref<1x64xf32, #tpu.memory_space<vmem>> -> memref<64xf32, #tpu.memory_space<vmem>>
      %get3A_813 = arith.constant 32 : index
      %get3A_814 = tpu.vector_load %get3A_812[%get3A_813] {strides = array<i32>} : memref<64xf32, #tpu.memory_space<vmem>>, vector<16xf32>,
      %mul3A_815 = arith.mulf %get3A_809, %get3A_814 : vector<16xf32>
      %add3A_816 = arith.addf %add3A_804, %mul3A_815 : vector<16xf32>
      %get3A_817 = arith.constant 0 : i32
      %get3A_818 = tpu.memref_slice %arg11[%add3A_781, %get3A_817] : memref<512x64xf32, #tpu.memory_space<vmem>> -> memref<1x64xf32, #tpu.memory_space<vmem>>
      %get3A_819 = tpu.memref_squeeze %get3A_818 : memref<1x64xf32, #tpu.memory_space<vmem>> -> memref<64xf32, #tpu.memory_space<vmem>>
      %get3A_820 = arith.constant 48 : index
      %get3A_821 = tpu.vector_load %get3A_819[%get3A_820] {strides = array<i32>} : memref<64xf32, #tpu.memory_space<vmem>>, vector<16xf32>,
      %get3A_822 = arith.constant 0 : i32
      %get3A_823 = tpu.memref_slice %arg12[%add3A_781, %get3A_822] : memref<512x64xf32, #tpu.memory_space<vmem>> -> memref<1x64xf32, #tpu.memory_space<vmem>>
      %get3A_824 = tpu.memref_squeeze %get3A_823 : memref<1x64xf32, #tpu.memory_space<vmem>> -> memref<64xf32, #tpu.memory_space<vmem>>
      %get3A_825 = arith.constant 48 : index
      %get3A_826 = tpu.vector_load %get3A_824[%get3A_825] {strides = array<i32>} : memref<64xf32, #tpu.memory_space<vmem>>, vector<16xf32>,
      %mul3A_827 = arith.mulf %get3A_821, %get3A_826 : vector<16xf32>
      %add3A_828 = arith.addf %add3A_816, %mul3A_827 : vector<16xf32>
      %eq3A_829 = arith.constant 13 : i32
      %eq3A_830 = vector.broadcast %eq3A_829 : i32 to vector<16xi32>
      %eq3A_831 = arith.cmpi eq, %iota3A, %eq3A_830 : vector<16xi32>
      %reduce_sum3A_832 = arith.constant true
      %reduce_sum3A_833 = vector.broadcast %reduce_sum3A_832 : i1 to vector<16xi1>
      %reduce_sum3A_834 = tpu.scan <sum>, %add3A_828 masked %reduce_sum3A_833 : vector<16xf32>, vector<16xi1> -> vector<16xf32>
      %reduce_sum3A_835 = vector.extract %reduce_sum3A_834[15] : f32 from vector<16xf32>
      %broadcast_in_dim3A_836 = vector.broadcast %reduce_sum3A_835 : f32 to vector<16xf32>
      %select_n3A_837 = arith.select %eq3A_831, %broadcast_in_dim3A_836, %select_n3A_779 : vector<16xi1>, vector<16xf32>
      %add3A_838 = arith.constant 14 : i32
      %add3A_839 = arith.addi %mul3A_28, %add3A_838 : i32
      %get3A_840 = arith.constant 0 : i32
      %get3A_841 = tpu.memref_slice %arg11[%add3A_839, %get3A_840] : memref<512x64xf32, #tpu.memory_space<vmem>> -> memref<1x64xf32, #tpu.memory_space<vmem>>
      %get3A_842 = tpu.memref_squeeze %get3A_841 : memref<1x64xf32, #tpu.memory_space<vmem>> -> memref<64xf32, #tpu.memory_space<vmem>>
      %get3A_843 = arith.constant 0 : index
      %get3A_844 = tpu.vector_load %get3A_842[%get3A_843] {strides = array<i32>} : memref<64xf32, #tpu.memory_space<vmem>>, vector<16xf32>,
      %get3A_845 = arith.constant 0 : i32
      %get3A_846 = tpu.memref_slice %arg12[%add3A_839, %get3A_845] : memref<512x64xf32, #tpu.memory_space<vmem>> -> memref<1x64xf32, #tpu.memory_space<vmem>>
      %get3A_847 = tpu.memref_squeeze %get3A_846 : memref<1x64xf32, #tpu.memory_space<vmem>> -> memref<64xf32, #tpu.memory_space<vmem>>
      %get3A_848 = arith.constant 0 : index
      %get3A_849 = tpu.vector_load %get3A_847[%get3A_848] {strides = array<i32>} : memref<64xf32, #tpu.memory_space<vmem>>, vector<16xf32>,
      %mul3A_850 = arith.mulf %get3A_844, %get3A_849 : vector<16xf32>
      %get3A_851 = arith.constant 0 : i32
      %get3A_852 = tpu.memref_slice %arg11[%add3A_839, %get3A_851] : memref<512x64xf32, #tpu.memory_space<vmem>> -> memref<1x64xf32, #tpu.memory_space<vmem>>
      %get3A_853 = tpu.memref_squeeze %get3A_852 : memref<1x64xf32, #tpu.memory_space<vmem>> -> memref<64xf32, #tpu.memory_space<vmem>>
      %get3A_854 = arith.constant 16 : index
      %get3A_855 = tpu.vector_load %get3A_853[%get3A_854] {strides = array<i32>} : memref<64xf32, #tpu.memory_space<vmem>>, vector<16xf32>,
      %get3A_856 = arith.constant 0 : i32
      %get3A_857 = tpu.memref_slice %arg12[%add3A_839, %get3A_856] : memref<512x64xf32, #tpu.memory_space<vmem>> -> memref<1x64xf32, #tpu.memory_space<vmem>>
      %get3A_858 = tpu.memref_squeeze %get3A_857 : memref<1x64xf32, #tpu.memory_space<vmem>> -> memref<64xf32, #tpu.memory_space<vmem>>
      %get3A_859 = arith.constant 16 : index
      %get3A_860 = tpu.vector_load %get3A_858[%get3A_859] {strides = array<i32>} : memref<64xf32, #tpu.memory_space<vmem>>, vector<16xf32>,
      %mul3A_861 = arith.mulf %get3A_855, %get3A_860 : vector<16xf32>
      %add3A_862 = arith.addf %mul3A_850, %mul3A_861 : vector<16xf32>
      %get3A_863 = arith.constant 0 : i32
      %get3A_864 = tpu.memref_slice %arg11[%add3A_839, %get3A_863] : memref<512x64xf32, #tpu.memory_space<vmem>> -> memref<1x64xf32, #tpu.memory_space<vmem>>
      %get3A_865 = tpu.memref_squeeze %get3A_864 : memref<1x64xf32, #tpu.memory_space<vmem>> -> memref<64xf32, #tpu.memory_space<vmem>>
      %get3A_866 = arith.constant 32 : index
      %get3A_867 = tpu.vector_load %get3A_865[%get3A_866] {strides = array<i32>} : memref<64xf32, #tpu.memory_space<vmem>>, vector<16xf32>,
      %get3A_868 = arith.constant 0 : i32
      %get3A_869 = tpu.memref_slice %arg12[%add3A_839, %get3A_868] : memref<512x64xf32, #tpu.memory_space<vmem>> -> memref<1x64xf32, #tpu.memory_space<vmem>>
      %get3A_870 = tpu.memref_squeeze %get3A_869 : memref<1x64xf32, #tpu.memory_space<vmem>> -> memref<64xf32, #tpu.memory_space<vmem>>
      %get3A_871 = arith.constant 32 : index
      %get3A_872 = tpu.vector_load %get3A_870[%get3A_871] {strides = array<i32>} : memref<64xf32, #tpu.memory_space<vmem>>, vector<16xf32>,
      %mul3A_873 = arith.mulf %get3A_867, %get3A_872 : vector<16xf32>
      %add3A_874 = arith.addf %add3A_862, %mul3A_873 : vector<16xf32>
      %get3A_875 = arith.constant 0 : i32
      %get3A_876 = tpu.memref_slice %arg11[%add3A_839, %get3A_875] : memref<512x64xf32, #tpu.memory_space<vmem>> -> memref<1x64xf32, #tpu.memory_space<vmem>>
      %get3A_877 = tpu.memref_squeeze %get3A_876 : memref<1x64xf32, #tpu.memory_space<vmem>> -> memref<64xf32, #tpu.memory_space<vmem>>
      %get3A_878 = arith.constant 48 : index
      %get3A_879 = tpu.vector_load %get3A_877[%get3A_878] {strides = array<i32>} : memref<64xf32, #tpu.memory_space<vmem>>, vector<16xf32>,
      %get3A_880 = arith.constant 0 : i32
      %get3A_881 = tpu.memref_slice %arg12[%add3A_839, %get3A_880] : memref<512x64xf32, #tpu.memory_space<vmem>> -> memref<1x64xf32, #tpu.memory_space<vmem>>
      %get3A_882 = tpu.memref_squeeze %get3A_881 : memref<1x64xf32, #tpu.memory_space<vmem>> -> memref<64xf32, #tpu.memory_space<vmem>>
      %get3A_883 = arith.constant 48 : index
      %get3A_884 = tpu.vector_load %get3A_882[%get3A_883] {strides = array<i32>} : memref<64xf32, #tpu.memory_space<vmem>>, vector<16xf32>,
      %mul3A_885 = arith.mulf %get3A_879, %get3A_884 : vector<16xf32>
      %add3A_886 = arith.addf %add3A_874, %mul3A_885 : vector<16xf32>
      %eq3A_887 = arith.constant 14 : i32
      %eq3A_888 = vector.broadcast %eq3A_887 : i32 to vector<16xi32>
      %eq3A_889 = arith.cmpi eq, %iota3A, %eq3A_888 : vector<16xi32>
      %reduce_sum3A_890 = arith.constant true
      %reduce_sum3A_891 = vector.broadcast %reduce_sum3A_890 : i1 to vector<16xi1>
      %reduce_sum3A_892 = tpu.scan <sum>, %add3A_886 masked %reduce_sum3A_891 : vector<16xf32>, vector<16xi1> -> vector<16xf32>
      %reduce_sum3A_893 = vector.extract %reduce_sum3A_892[15] : f32 from vector<16xf32>
      %broadcast_in_dim3A_894 = vector.broadcast %reduce_sum3A_893 : f32 to vector<16xf32>
      %select_n3A_895 = arith.select %eq3A_889, %broadcast_in_dim3A_894, %select_n3A_837 : vector<16xi1>, vector<16xf32>
      %add3A_896 = arith.constant 15 : i32
      %add3A_897 = arith.addi %mul3A_28, %add3A_896 : i32
      %get3A_898 = arith.constant 0 : i32
      %get3A_899 = tpu.memref_slice %arg11[%add3A_897, %get3A_898] : memref<512x64xf32, #tpu.memory_space<vmem>> -> memref<1x64xf32, #tpu.memory_space<vmem>>
      %get3A_900 = tpu.memref_squeeze %get3A_899 : memref<1x64xf32, #tpu.memory_space<vmem>> -> memref<64xf32, #tpu.memory_space<vmem>>
      %get3A_901 = arith.constant 0 : index
      %get3A_902 = tpu.vector_load %get3A_900[%get3A_901] {strides = array<i32>} : memref<64xf32, #tpu.memory_space<vmem>>, vector<16xf32>,
      %get3A_903 = arith.constant 0 : i32
      %get3A_904 = tpu.memref_slice %arg12[%add3A_897, %get3A_903] : memref<512x64xf32, #tpu.memory_space<vmem>> -> memref<1x64xf32, #tpu.memory_space<vmem>>
      %get3A_905 = tpu.memref_squeeze %get3A_904 : memref<1x64xf32, #tpu.memory_space<vmem>> -> memref<64xf32, #tpu.memory_space<vmem>>
      %get3A_906 = arith.constant 0 : index
      %get3A_907 = tpu.vector_load %get3A_905[%get3A_906] {strides = array<i32>} : memref<64xf32, #tpu.memory_space<vmem>>, vector<16xf32>,
      %mul3A_908 = arith.mulf %get3A_902, %get3A_907 : vector<16xf32>
      %get3A_909 = arith.constant 0 : i32
      %get3A_910 = tpu.memref_slice %arg11[%add3A_897, %get3A_909] : memref<512x64xf32, #tpu.memory_space<vmem>> -> memref<1x64xf32, #tpu.memory_space<vmem>>
      %get3A_911 = tpu.memref_squeeze %get3A_910 : memref<1x64xf32, #tpu.memory_space<vmem>> -> memref<64xf32, #tpu.memory_space<vmem>>
      %get3A_912 = arith.constant 16 : index
      %get3A_913 = tpu.vector_load %get3A_911[%get3A_912] {strides = array<i32>} : memref<64xf32, #tpu.memory_space<vmem>>, vector<16xf32>,
      %get3A_914 = arith.constant 0 : i32
      %get3A_915 = tpu.memref_slice %arg12[%add3A_897, %get3A_914] : memref<512x64xf32, #tpu.memory_space<vmem>> -> memref<1x64xf32, #tpu.memory_space<vmem>>
      %get3A_916 = tpu.memref_squeeze %get3A_915 : memref<1x64xf32, #tpu.memory_space<vmem>> -> memref<64xf32, #tpu.memory_space<vmem>>
      %get3A_917 = arith.constant 16 : index
      %get3A_918 = tpu.vector_load %get3A_916[%get3A_917] {strides = array<i32>} : memref<64xf32, #tpu.memory_space<vmem>>, vector<16xf32>,
      %mul3A_919 = arith.mulf %get3A_913, %get3A_918 : vector<16xf32>
      %add3A_920 = arith.addf %mul3A_908, %mul3A_919 : vector<16xf32>
      %get3A_921 = arith.constant 0 : i32
      %get3A_922 = tpu.memref_slice %arg11[%add3A_897, %get3A_921] : memref<512x64xf32, #tpu.memory_space<vmem>> -> memref<1x64xf32, #tpu.memory_space<vmem>>
      %get3A_923 = tpu.memref_squeeze %get3A_922 : memref<1x64xf32, #tpu.memory_space<vmem>> -> memref<64xf32, #tpu.memory_space<vmem>>
      %get3A_924 = arith.constant 32 : index
      %get3A_925 = tpu.vector_load %get3A_923[%get3A_924] {strides = array<i32>} : memref<64xf32, #tpu.memory_space<vmem>>, vector<16xf32>,
      %get3A_926 = arith.constant 0 : i32
      %get3A_927 = tpu.memref_slice %arg12[%add3A_897, %get3A_926] : memref<512x64xf32, #tpu.memory_space<vmem>> -> memref<1x64xf32, #tpu.memory_space<vmem>>
      %get3A_928 = tpu.memref_squeeze %get3A_927 : memref<1x64xf32, #tpu.memory_space<vmem>> -> memref<64xf32, #tpu.memory_space<vmem>>
      %get3A_929 = arith.constant 32 : index
      %get3A_930 = tpu.vector_load %get3A_928[%get3A_929] {strides = array<i32>} : memref<64xf32, #tpu.memory_space<vmem>>, vector<16xf32>,
      %mul3A_931 = arith.mulf %get3A_925, %get3A_930 : vector<16xf32>
      %add3A_932 = arith.addf %add3A_920, %mul3A_931 : vector<16xf32>
      %get3A_933 = arith.constant 0 : i32
      %get3A_934 = tpu.memref_slice %arg11[%add3A_897, %get3A_933] : memref<512x64xf32, #tpu.memory_space<vmem>> -> memref<1x64xf32, #tpu.memory_space<vmem>>
      %get3A_935 = tpu.memref_squeeze %get3A_934 : memref<1x64xf32, #tpu.memory_space<vmem>> -> memref<64xf32, #tpu.memory_space<vmem>>
      %get3A_936 = arith.constant 48 : index
      %get3A_937 = tpu.vector_load %get3A_935[%get3A_936] {strides = array<i32>} : memref<64xf32, #tpu.memory_space<vmem>>, vector<16xf32>,
      %get3A_938 = arith.constant 0 : i32
      %get3A_939 = tpu.memref_slice %arg12[%add3A_897, %get3A_938] : memref<512x64xf32, #tpu.memory_space<vmem>> -> memref<1x64xf32, #tpu.memory_space<vmem>>
      %get3A_940 = tpu.memref_squeeze %get3A_939 : memref<1x64xf32, #tpu.memory_space<vmem>> -> memref<64xf32, #tpu.memory_space<vmem>>
      %get3A_941 = arith.constant 48 : index
      %get3A_942 = tpu.vector_load %get3A_940[%get3A_941] {strides = array<i32>} : memref<64xf32, #tpu.memory_space<vmem>>, vector<16xf32>,
      %mul3A_943 = arith.mulf %get3A_937, %get3A_942 : vector<16xf32>
      %add3A_944 = arith.addf %add3A_932, %mul3A_943 : vector<16xf32>
      %eq3A_945 = arith.constant 15 : i32
      %eq3A_946 = vector.broadcast %eq3A_945 : i32 to vector<16xi32>
      %eq3A_947 = arith.cmpi eq, %iota3A, %eq3A_946 : vector<16xi32>
      %reduce_sum3A_948 = arith.constant true
      %reduce_sum3A_949 = vector.broadcast %reduce_sum3A_948 : i1 to vector<16xi1>
      %reduce_sum3A_950 = tpu.scan <sum>, %add3A_944 masked %reduce_sum3A_949 : vector<16xf32>, vector<16xi1> -> vector<16xf32>
      %reduce_sum3A_951 = vector.extract %reduce_sum3A_950[15] : f32 from vector<16xf32>
      %broadcast_in_dim3A_952 = vector.broadcast %reduce_sum3A_951 : f32 to vector<16xf32>
      %select_n3A_953 = arith.select %eq3A_947, %broadcast_in_dim3A_952, %select_n3A_895 : vector<16xi1>, vector<16xf32>
      %get3A_954 = arith.index_cast %mul3A_28 : i32 to index
      %get3A_955 = tpu.vector_load %arg13[%get3A_954] {strides = array<i32>} : memref<512xf32, #tpu.memory_space<vmem>>, vector<16xf32>,
      %add3A_956 = arith.addf %select_n3A_953, %get3A_955 : vector<16xf32>
      %get3A_957 = arith.index_cast %mul3A_28 : i32 to index
      %get3A_958 = tpu.vector_load %arg14[%get3A_957] {strides = array<i32>} : memref<512xf32, #tpu.memory_space<vmem>>, vector<16xf32>,
      %add3A_959 = arith.addf %add3A_956, %get3A_958 : vector<16xf32>
      %swap3A = arith.index_cast %mul3A_28 : i32 to index
      %swap3A_960 = tpu.vector_load %arg15[%swap3A] {strides = array<i32>} : memref<512xf32, #tpu.memory_space<vmem>>, vector<16xf32>,
      tpu.vector_store %arg15[%swap3A], %add3A_959 {strides = array<i32>} : memref<512xf32, #tpu.memory_space<vmem>>, vector<16xf32>,
    }
    %scan3A_25 = arith.constant 32 : i32
    "tpu.region"() ({
      %run_scoped3A = tpu.sem_alloc : memref<!tpu.dma_semaphore, #tpu.memory_space<semaphore_mem>>
      %dma_start3A_26 = tpu.memref_slice %arg8[%mul3A_2] : memref<16384xf32, #tpu.memory_space<hbm>> -> memref<512xf32, #tpu.memory_space<hbm>>
      %dma_start3A_27 = tpu.memref_slice %arg8[%mul3A_2] : memref<16384xf32, #tpu.memory_space<hbm>> -> memref<512xf32, #tpu.memory_space<hbm>>
      tpu.enqueue_dma source(%arg15 : memref<512xf32, #tpu.memory_space<vmem>>) target(%dma_start3A_27 : memref<512xf32, #tpu.memory_space<hbm>>) target_semaphore(%run_scoped3A : memref<!tpu.dma_semaphore, #tpu.memory_space<semaphore_mem>>)
      %dma_wait3A_28 = tpu.memref_slice %arg8[%mul3A_2] : memref<16384xf32, #tpu.memory_space<hbm>> -> memref<512xf32, #tpu.memory_space<hbm>>
      %dma_wait3A_29 = tpu.memref_slice %arg8[%mul3A_2] : memref<16384xf32, #tpu.memory_space<hbm>> -> memref<512xf32, #tpu.memory_space<hbm>>
      tpu.wait_dma2 semaphore(%run_scoped3A : memref<!tpu.dma_semaphore, #tpu.memory_space<semaphore_mem>>) src(%arg15 : memref<512xf32, #tpu.memory_space<vmem>>) dst(%dma_wait3A_29 : memref<512xf32, #tpu.memory_space<hbm>>)
      tpu.yield
    }) : () -> ()
    return
  }
}

</mosaic_0001>

<sc_bundles>
// kernel: kernel.3.cloned.1.call-start
scs
__scs_entry_jumppad:
0x0: {  	(pc) =	sbr.rel $0x88, $3  }
0x1: {  	(tag) =	ssettag $0x0;
	lr =	simm.s32 $0x1  }
0x2: {  	[smem:$0x3F9B] =	sst lr;
	_ =	strace $0xD0000000  }
0x3: {  	_ = 	snop  }
0x4: {  	_ = 	snop  }
0x5: {  	_ = 	snop  }
0x6: {  	_ = 	snop  }
0x7: {  	_ = 	snop  }
__scs_overlays_trampoline_lowered:
0x8: {  	[smem:$0x3FAA] =	sst s0  }
0x9: {  	[smem:$0x3FAB] =	sst s1  }
0xa: {  	[smem:$0x3FAC] =	sst s2  }
0xb: {  	[smem:$0x3FAD] =	sst s3  }
0xc: {  	[smem:$0x3FAE] =	sst s4  }
0xd: {  	[smem:$0x3FAF] =	sst s5  }
0xe: {  	[smem:$0x3FB0] =	sst s6  }
0xf: {  	[smem:$0x3FB1] =	sst s7  }
0x10: {  	[smem:$0x3FB2] =	sst s8  }
0x11: {  	[smem:$0x3FB3] =	sst s9;
	s0 =	simm.s32 @!p0 $0x0  }
0x12: {  	s1 =	sld [smem:$0x3F99];
	s0 =	simm.s32 @p0 $0x1  }
0x13: {  	[smem:$0x3FB4] =	sst s0;
	s0 =	simm.s32 @!p1 $0x0  }
0x14: {  	s2 =	sld [smem:$0x3F98];
	s0 =	simm.s32 @p1 $0x1  }
0x15: {  	[smem:$0x3FB5] =	sst s0;
	s0 =	simm.s32 @!p2 $0x0  }
0x16: {  	s3 =	sld [smem:$0x3FDB];
	s0 =	simm.s32 @p2 $0x1  }
0x17: {  	s4 =	simm.s32 $0x1BF5;
	[smem:$0x3FB7] =	sst s0  }
0x18: {  	s0 =	sld [smem:$0x3F9A];
	_ =	swait.ge [sflag:s4], $0x0  }
0x19: {  	s7 =	sld [smem:$0x3F9B]  }
0x1a: {  	s8 =	sadd.s32 $0xFFFFE003, lr  }
0x1b: {  	s9 =	sadd.s32 $0xFFFFFEF7, lr;
	s5 =	simm.s32 $0xFFFFFFFF;
	p2 =	slt.u32 s8, $0xFFFFF086  }
0x1c: {  	p1 =	slt.u32 s9, $0xF7A;
	s5 =	simm.s32 @!p2 $0x0  }
0x1d: {  	s5 =	simm.s32 @p1 $0x1;
	p0 =	seq.s32 s7, s2  }
0x1e: {  	s7 =	smul.u32 @!p0 $0xF7A, s2;
	p2 =	seq.s32 @!p0 s5, $0x0  }
0x1f: {  	s9 =	smul.u32 $0xF7A, s1;
	s8 =	simm.s32 @!p0 $0x1BF5;
	p2 =	por !p2, p0  }
0x20: {  	[sflag:s8] =	ssyncset.s32 @!p0 $0xFFFFF086;
	s6 =	sadd.s32 @!p0 s3, s7;
	s7 =	simm.s32 @!p0 $0x108  }
0x21: {  	s3 =	sadd.s32 s3, s9;
	s6 =	sadd.s32 @!p0 $0x88, s6;
	s7 =	simm.s32 @p2 $0x1082  }
0x22: {  	[simem:s7], [sflag:s8] =	dma.local @!p0 [hbm:s6], $0xF7A  }
0x23: {  	s9 =	sor.u32 $0xD0000000, s2;
	s6 =	simm.s32 $0x108;
	_ =	swait.ge @!p0 [sflag:s8], $0x0  }
0x24: {  	s3 =	sadd.s32 $0x88, s3;
	s6 =	simm.s32 @!p1 $0x1082;
	[sflag:s4] =	ssyncset.s32 $0xFFFFF086  }
0x25: {  	[simem:s6], [sflag:s4] =	dma.local [hbm:s3], $0xF7A  }
0x26: {  	[smem:$0x3F9B] =	sst s1;
	(tag) =	ssettag s2;
	_ =	strace s9  }
0x27: {  	s1 =	sld [smem:$0x3FAB]  }
0x28: {  	s2 =	sld [smem:$0x3FAC]  }
0x29: {  	s4 =	sld [smem:$0x3FAE]  }
0x2a: {  	p0 =	seq.s32 s5, $0x0;
	s5 =	sld [smem:$0x3FAF]  }
0x2b: {  	s6 =	sld [smem:$0x3FB0]  }
0x2c: {  	s7 =	sld [smem:$0x3FB1]  }
0x2d: {  	s3 =	simm.s32 $0x108;
	s8 =	sld [smem:$0x3FB2]  }
0x2e: {  	s3 =	simm.s32 @!p0 $0x1082;
	s9 =	sld [smem:$0x3FB3]  }
0x2f: {  	lr =	sadd.s32 s0, s3;
	s0 =	sld [smem:$0x3FAA]  }
0x30: {  	s3 =	sld [smem:$0x3FAD]  }
0x31: {  	[smem:$0x3FB6] =	sst s10  }
0x32: {  	s10 =	sld [smem:$0x3FB4];
	_ =	sdelay $0x3  }
0x33: {  	p0 =	seq.s32 s10, $0x1;
	s10 =	sld [smem:$0x3FB6];
	_ =	sdelay $0x3  }
0x34: {  	[smem:$0x3FB6] =	sst s10  }
0x35: {  	s10 =	sld [smem:$0x3FB5];
	_ =	sdelay $0x3  }
0x36: {  	p1 =	seq.s32 s10, $0x1;
	s10 =	sld [smem:$0x3FB6];
	_ =	sdelay $0x3  }
0x37: {  	[smem:$0x3FB6] =	sst s10  }
0x38: {  	s10 =	sld [smem:$0x3FB7]  }
0x39: {  	_ = 	snop;
	(pc) =	sbr.ind lr, $3  }
0x3a: {  	_ = 	snop  }
0x3b: {  	_ = 	snop  }
0x3c: {  	p2 =	seq.s32 s10, $0x1;
	s10 =	sld [smem:$0x3FB6]  }
0x3d: {  	_ =	shalt  }
0x3e: {  	_ =	shalt  }
0x3f: {  	_ =	shalt  }
0x40: {  	_ =	shalt  }
0x41: {  	_ =	shalt  }
0x42: {  	_ =	shalt  }
0x43: {  	_ =	shalt  }
0x44: {  	_ =	shalt  }
0x45: {  	_ =	shalt  }
0x46: {  	_ =	shalt  }
0x47: {  	_ =	shalt  }
0x48: {  	_ =	shalt  }
0x49: {  	_ =	shalt  }
0x4a: {  	_ =	shalt  }
0x4b: {  	_ =	shalt  }
0x4c: {  	_ =	shalt  }
0x4d: {  	_ =	shalt  }
0x4e: {  	_ =	shalt  }
0x4f: {  	_ =	shalt  }
0x50: {  	_ =	shalt  }
0x51: {  	_ =	shalt  }
0x52: {  	_ =	shalt  }
0x53: {  	_ =	shalt  }
0x54: {  	_ =	shalt  }
0x55: {  	_ =	shalt  }
0x56: {  	_ =	shalt  }
0x57: {  	_ =	shalt  }
0x58: {  	_ =	shalt  }
0x59: {  	_ =	shalt  }
0x5a: {  	_ =	shalt  }
0x5b: {  	_ =	shalt  }
0x5c: {  	_ =	shalt  }
0x5d: {  	_ =	shalt  }
0x5e: {  	_ =	shalt  }
0x5f: {  	_ =	shalt  }
0x60: {  	_ =	shalt  }
0x61: {  	_ =	shalt  }
0x62: {  	_ =	shalt  }
0x63: {  	_ =	shalt  }
0x64: {  	_ =	shalt  }
0x65: {  	_ =	shalt  }
0x66: {  	_ =	shalt  }
0x67: {  	_ =	shalt  }
0x68: {  	_ =	shalt  }
0x69: {  	_ =	shalt  }
0x6a: {  	_ =	shalt  }
0x6b: {  	_ =	shalt  }
0x6c: {  	_ =	shalt  }
0x6d: {  	_ =	shalt  }
0x6e: {  	_ =	shalt  }
0x6f: {  	_ =	shalt  }
0x70: {  	_ =	shalt  }
0x71: {  	_ =	shalt  }
0x72: {  	_ =	shalt  }
0x73: {  	_ =	shalt  }
0x74: {  	_ =	shalt  }
0x75: {  	_ =	shalt  }
0x76: {  	_ =	shalt  }
0x77: {  	_ =	shalt  }
0x78: {  	_ =	shalt  }
0x79: {  	_ =	shalt  }
0x7a: {  	_ =	shalt  }
0x7b: {  	_ =	shalt  }
0x7c: {  	_ =	shalt  }
0x7d: {  	_ =	shalt  }
0x7e: {  	_ =	shalt  }
0x7f: {  	_ =	shalt  }
0x80: {  	_ =	shalt  }
0x81: {  	_ =	shalt  }
0x82: {  	_ =	shalt  }
0x83: {  	_ =	shalt  }
0x84: {  	_ =	shalt  }
0x85: {  	_ =	shalt  }
0x86: {  	_ =	shalt  }
0x87: {  	_ =	shalt  }
.Lfunc_end0:
.L_simem_size_0:
called_computation_lowered:
.L_overlay_start_0:
0x88: {  	s2 =	sld [smem:$0x3FD9]  }
0x89: {  	s3 =	sld [smem:$0x3FFE];
	_ =	sdelay $0x1  }
0x8a: {  	s1 =	srdreg.scid  }
0x8b: {  	s0 =	sand.u32 $0x1, s1  }
0x8c: {  	s17 =	sshll.u32 s0, $0xA;
	s2 =	sadd.s32 s3, s2  }
0x8d: {  	s2 =	sadd.s32 s2, s17  }
0x8e: {  	[smem:$0x3FC2] =	sst s2  }
0x8f: {  	_ = 	snop  }
0x90: {  	s2 =	sld [smem:$0x3FC9]  }
0x91: {  	s18 =	sld [smem:$0x3FC8]  }
0x92: {  	s4 =	sld [smem:$0x3FD0];
	(tm) =	ssettm $0x1  }
0x93: {  	s5 =	sld [smem:$0x3FFB];
	_ =	sdelay $0x3  }
0x94: {  	_ =	strace s5  }
0x95: {  	s5 =	sld [smem:$0x3FFC];
	_ =	sdelay $0x3  }
0x96: {  	_ =	strace s5  }
0x97: {  	s5 =	sld [smem:$0x3FFD];
	_ =	sdelay $0x3  }
0x98: {  	_ =	strace s5  }
0x99: {  	_ =	strace $0x8FFFFFFF  }
0x9a: {  	s19 =	sld [smem:$0x3FDB];
	_ =	sdelay $0x1  }
0x9b: {  	s6 =	simm.s32 $_scs_section_size  }
0x9c: {  	s7 =	simm.s32 $_size__tile_overlayer_lowered;
	s8 =	simm.s32 $_tile_overlayer_lowered  }
0x9d: {  	s22 =	simm.s32 $0x1BFF;
	s21 =	sshll.u32 s8, $0x1;
	s5 =	sadd.s32 s6, s19  }
0x9e: {  	s9 =	simm.s32 $0x0;
	s20 =	sshll.u32 s7, $0x1;
	s7 =	sadd.s32 s21, s5  }
0x9f: {  	[timem:s9], [sflag:s22] =	dma.local [hbm:s7], s20  }
0xa0: {  	_ =	swait.ge [sflag:s22], s20  }
0xa1: {  	s6 =	ssub.s32 $0x0, s20;
	[sflag:s22] =	ssyncset.done $0x0  }
0xa2: {  	[sflag:s22] =	ssyncadd.s32 s6;
	_ =	sdelay $0x1  }
0xa3: {  	s23 =	simm.s32 $0x1B8B  }
0xa4: {  	_ =	swait.ge [sflag:s23], $0x1  }
0xa5: {  	[sflag:s23] =	ssyncset.done $0x0  }
0xa6: {  	s25 =	simm.s32 $0x1B8E;
	s24 =	sld [smem:$0x3FFE];
	[sflag:s23] =	ssyncadd.s32 $0xFFFFFFFF  }
0xa7: {  	s26 =	simm.s32 $execute0_lowered;
	[smem:$0x3FD2] =	sst s25  }
0xa8: {  	s7 =	sshll.u32 s26, $0x1;
	_ =	strace $0x80000046;
	[dreg:$0x1] =	wrdreg $0xFFFFFFFF  }
0xa9: {  	s28 =	simm.s32 $_size_execute0_lowered;
	s5 =	sadd.s32 s5, s7;
	[dreg:$0x0] =	wrdreg $0x0  }
0xaa: {  	s7 =	sshll.u32 s28, $0x1;
	[dreg:$0x2] =	wrdreg s5  }
0xab: {  	[dreg:$0x3] =	wrdreg s7  }
0xac: {  	[dreg:$0x4] =	wrdreg $0xC0  }
0xad: {  	_ =	task [dreg:s9], $0x5FFFF  }
0xae: {  	[dreg:$0x1] =	wrdreg $0xFFFFFFFF  }
0xaf: {  	[dreg:$0x0] =	wrdreg $0x60  }
0xb0: {  	[dreg:$0x2] =	wrdreg s2  }
0xb1: {  	[dreg:$0x3] =	wrdreg s18  }
0xb2: {  	[dreg:$0x4] =	wrdreg s24  }
0xb3: {  	[dreg:$0x5] =	wrdreg s4  }
0xb4: {  	[dreg:$0x6] =	wrdreg $0x9  }
0xb5: {  	_ =	task.clear_ibuf [dreg:s9], $0x7FFFF;
	_ =	strace $0x90000046  }
0xb6: {  	s29 =	simm.s32 $0x9;
	_ =	strace $0x80000048  }
0xb7: {  	_ =	swait.ge [sflag:s29], $0x1  }
0xb8: {  	[sflag:s29] =	ssyncadd.s32 $0xFFFFFFFF  }
0xb9: {  	_ =	strace $0x90000048  }
0xba: {  	_ =	sfence  }
0xbb: {  	s30 =	sld [smem:$0x0];
	_ =	sdelay $0x2  }
0xbc: {  	s31 =	sshll.u32 s1, $0xD;
	s1 =	sshrl.u32 s1, $0x2  }
0xbd: {  	s3 =	sand.u32 $0x4000, s31;
	s1 =	sadd.s32 s1, s30  }
0xbe: {  	s0 =	sor.u32 s3, s0;
	s1 =	sshll.u32 s1, $0x11  }
0xbf: {  	s0 =	sor.u32 s1, s0  }
0xc0: {  	s0 =	sadd.s32 $0x8F2B, s0  }
0xc1: {  	[sflag:s0] =	ssyncadd.remote.s32 $0x1  }
0xc2: {  	_ =	sfence.sel $0xFFFF  }
0xc3: {  	[dreg:$0x0] =	wrdreg $0xFFFFFFFF;
	(pc) =	sbr.abs _section_cstart, $3  }
0xc4: {  	[dreg:$0x1] =	wrdreg $0xFFFFFFFF  }
0xc5: {  	_ =	task.clear_ibuf [dreg:s9], $0x2FFFF;
	_ =	strace $0x9FFFFFFF  }
0xc6: {  	(tm) =	ssettm $0x7FFFFFFF  }
0xc7: {  	_ =	shalt  }
tec
execute0_lowered:
.L_overlay_start_1:
0x0: {  	(tag) =	ssettag $0x1  }
0x1: {  	s7 =	rddreg [dreg:$0x0]  }
0x2: {  	s8 =	rddreg [dreg:$0x1]  }
0x3: {  	s1 =	rddreg [dreg:$0x2]  }
0x4: {  	s9 =	rddreg [dreg:$0x3]  }
0x5: {  	s0 =	rddreg [dreg:$0x4];
	s2 =	simm.s32 $0x0  }
0x6: {  	s5 =	srdreg.scid;
	s3 =	stileid.u32;
	s13 =	simm.s32 $0x400  }
0x7: {  	s14 =	simm.s32 $0x8400;
	s15 =	simm.s32 $0x10400;
	s16 =	simm.s32 $0x10600  }
0x8: {  	s17 =	simm.s32 $0x1;
	s18 =	simm.s32 $0x10800;
	s19 =	simm.s32 $0x0  }
0x9: {  	[smem:$0x7FF] =	sst s2;
	s4 =	sadd.s32 $0x16E3600, s1;
	s5 =	sand.u32 $0x1, s5  }
0xa: {  	vm0 =	vmmov $0x1;
	vm1 =	vmmov $0x3;
	vm2 =	vmmov $0x7;
	s6 =	sshll.u32 s3, $0x7;
	_ =	strace $0x80000047;
	s10 =	ssub.s32 $0x2, s5  }
0xb: {  	vm3 =	vmmov $0xf;
	vm4 =	vmmov $0x1f;
	vm5 =	vmmov $0x3f;
	s11 =	sshll.u32 s5, $0x6;
	s5 =	sadd.s32 $0xF42400, s1;
	s12 =	sshrl.u32 s10, $0x1  }
0xc: {  	vm6 =	vmmov $0x7f;
	vm7 =	vmmov $0xff;
	vm8 =	vmmov $0x1ff;
	s11 =	sor.u32 s11, s6;
	s6 =	sadd.s32 $0x1EA00, s1;
	s10 =	ssub.s32 s10, s12  }
0xd: {  	vm9 =	vmmov $0x3ff;
	vm10 =	vmmov $0x7ff;
	vm11 =	vmmov $0xfff;
	s7 =	sadd.s32 s7, s11;
	s8 =	sadd.s32 s8, s11;
	s9 =	sadd.s32 s9, s11  }
0xe: {  	vm12 =	vmmov $0x1fff;
	vm13 =	vmmov $0x3fff;
	vm14 =	vmmov $0x7fff;
	s11 =	simm.s32 $0x2;
	s12 =	simm.s32 $0x200;
	s10 =	smax.u32 s10, $0x1  }
.LBB2_1:
0xf: {  	[tilespmem:s2], [sflag:$0x2] =	stream.linear.gather [hbm4b:s7+s2], $0x200, $0x38;
	[tilespmem:$0x10A00] =	vst v63  }
0x10: {  	_ =	swait.ge [sflag:s11], $0x200  }
0x11: {  	[sflag:s11] =	ssyncset.done $0x0  }
0x12: {  	[sflag:s11] =	ssyncadd.s32 $0xFFFFFE00  }
0x13: {  	[tilespmem:s12], [sflag:$0x2] =	stream.linear.gather [hbm4b:s8+s2], $0x200, $0x38;
	[tilespmem:$0x10A00] =	vst v63  }
0x14: {  	_ =	swait.ge [sflag:s11], $0x200  }
0x15: {  	[sflag:s11] =	ssyncset.done $0x0  }
0x16: {  	[sflag:s11] =	ssyncadd.s32 $0xFFFFFE00  }
0x17: {  	[tilespmem:s13], [sflag:$0x1] =	stream.indirect.gather [hbm4b:s4+s12], $0x40, s2, s12, $0xb8;
	[tilespmem:$0x10A00] =	vst v63  }
0x18: {  	_ = 	snop  }
0x19: {  	[tilespmem:s14], [sflag:$0x1] =	stream.indirect.gather [hbm4b:s5+s12], $0x40, s12, s12, $0xb8;
	[tilespmem:$0x10A00] =	vst v63  }
0x1a: {  	_ = 	snop  }
0x1b: {  	[tilespmem:s15], [sflag:$0x1] =	stream.indirect.gather [hbm4b:s6+s12], $0x1, s2, s12, $0xb8;
	[tilespmem:$0x10A00] =	vst v63  }
0x1c: {  	_ = 	snop  }
0x1d: {  	[tilespmem:s16], [sflag:$0x1] =	stream.indirect.gather [hbm4b:s1+s12], $0x1, s12, s12, $0xb8;
	[tilespmem:$0x10A00] =	vst v63  }
0x1e: {  	_ =	swait.ge [sflag:s17], $0x8000  }
0x1f: {  	[sflag:s17] =	ssyncset.done $0x0  }
0x20: {  	[sflag:s17] =	ssyncadd.s32 $0xFFFF8000  }
0x21: {  	_ =	swait.ge [sflag:s17], $0x8000  }
0x22: {  	[sflag:s17] =	ssyncset.done $0x0  }
0x23: {  	[sflag:s17] =	ssyncadd.s32 $0xFFFF8000  }
0x24: {  	_ =	swait.ge [sflag:s17], $0x200  }
0x25: {  	[sflag:s17] =	ssyncset.done $0x0  }
0x26: {  	[sflag:s17] =	ssyncadd.s32 $0xFFFFFE00  }
0x27: {  	_ =	swait.ge [sflag:s17], $0x200  }
0x28: {  	[sflag:s17] =	ssyncset.done $0x0  }
0x29: {  	s21 =	simm.s32 $0x600;
	[sflag:s17] =	ssyncadd.s32 $0xFFFFFE00  }
0x2a: {  	s20 =	simm.s32 $0x8600;
	v5 =	vld [tilespmem:s21+$0x1B0]  }
0x2b: {  	v7 =	vld [tilespmem:s20+$0x1B0]  }
0x2c: {  	v0 =	vld [tilespmem:s21+$0x1C0]  }
0x2d: {  	v49 =	vld [tilespmem:s20+$0x1C0]  }
0x2e: {  	v50 =	vld [tilespmem:s21+$0x1D0]  }
0x2f: {  	v51 =	vld [tilespmem:s20+$0x1D0]  }
0x30: {  	v52 =	vld [tilespmem:s21+$0x1A0]  }
0x31: {  	v63 =	vld [tilespmem:s20+$0x1A0]  }
0x32: {  	v13 =	vld [tilespmem:s21+$0x130]  }
0x33: {  	v14 =	vld [tilespmem:s20+$0x130]  }
0x34: {  	v53 =	vld [tilespmem:s21+$0x160]  }
0x35: {  	v30 =	vld [tilespmem:s21+$0x180]  }
0x36: {  	v31 =	vld [tilespmem:s20+$0x180]  }
0x37: {  	v32 =	vld [tilespmem:s21+$0x190]  }
0x38: {  	v29 =	vld [tilespmem:s20+$0x190]  }
0x39: {  	v20 =	vld [tilespmem:s21+$0xF0]  }
0x3a: {  	v54 =	vld [tilespmem:s21+$0x120]  }
0x3b: {  	v55 =	vld [tilespmem:s20+$0x120]  }
0x3c: {  	v56 =	vld [tilespmem:s21+$0x140]  }
0x3d: {  	v57 =	vld [tilespmem:s20+$0x140]  }
0x3e: {  	v58 =	vld [tilespmem:s21+$0x150]  }
0x3f: {  	v59 =	vld [tilespmem:s20+$0x150]  }
0x40: {  	v62 =	vld [tilespmem:s21+$0xE0]  }
0x41: {  	v33 =	vld [tilespmem:s20+$0xE0]  }
0x42: {  	v42 =	vld [tilespmem:s21+$0x100]  }
0x43: {  	v43 =	vld [tilespmem:s20+$0x100]  }
0x44: {  	v44 =	vld [tilespmem:s21+$0x110]  }
0x45: {  	v45 =	vld [tilespmem:s20+$0x110]  }
0x46: {  	v6 =	vld [tilespmem:s21+$0x70]  }
0x47: {  	v8 =	vld [tilespmem:s20+$0x70]  }
0x48: {  	v60 =	vld [tilespmem:s21+$0xA0]  }
0x49: {  	v48 =	vld [tilespmem:s21+$0xC0]  }
0x4a: {  	v1 =	vld [tilespmem:s20+$0xC0]  }
0x4b: {  	v2 =	vld [tilespmem:s21+$0xD0]  }
0x4c: {  	v3 =	vld [tilespmem:s21+$0x30]  }
0x4d: {  	v4 =	vld [tilespmem:s20+$0x30]  }
0x4e: {  	v34 =	vld [tilespmem:s21+$0x60]  }
0x4f: {  	v61 =	vld [tilespmem:s21+$0x80]  }
0x50: {  	v9 =	vld [tilespmem:s20+$0x80]  }
0x51: {  	v10 =	vld [tilespmem:s21+$0x90]  }
0x52: {  	v11 =	vld [tilespmem:s20+$0x90]  }
0x53: {  	v35 =	vld [tilespmem:s21+$0x20]  }
0x54: {  	v36 =	vld [tilespmem:s20+$0x20]  }
0x55: {  	v23 =	vld [tilespmem:s21+$0xFFFFFFB0]  }
0x56: {  	v37 =	vld [tilespmem:s20+$0xFFFFFFB0]  }
0x57: {  	v38 =	vld [tilespmem:s21+$0xFFFFFFE0]  }
0x58: {  	v46 =	vld [tilespmem:s20+$0x0]  }
0x59: {  	v47 =	vld [tilespmem:s21+$0x10]  }
0x5a: {  	v41 =	vld [tilespmem:s20+$0x10]  }
0x5b: {  	v15 =	vld [tilespmem:s21+$0xFFFFFFC0]  }
0x5c: {  	v16 =	vld [tilespmem:s20+$0xFFFFFFC0]  }
0x5d: {  	v17 =	vld [tilespmem:s21+$0xFFFFFFD0]  }
0x5e: {  	v18 =	vld [tilespmem:s20+$0xFFFFFFD0]  }
0x5f: {  	v39 =	vld [tilespmem:s21+$0xFFFFFF60]  }
0x60: {  	v40 =	vld [tilespmem:s20+$0xFFFFFF60]  }
0x61: {  	v22 =	vld [tilespmem:s20+$0xFFFFFF80]  }
0x62: {  	v21 =	vld [tilespmem:s20+$0xFFFFFF90]  }
0x63: {  	v12 =	vld [tilespmem:s20+$0xFFFFFEF0]  }
0x64: {  	v19 =	vld [tilespmem:s21+$0xFFFFFF20]  }
0x65: {  	v27 =	vld [tilespmem:s21+$0xFFFFFEB0]  }
0x66: {  	v28 =	vld [tilespmem:s20+$0xFFFFFEB0]  }
0x67: {  	v24 =	vld [tilespmem:s20+$0xFFFFFF00]  }
0x68: {  	v25 =	vld [tilespmem:s21+$0xFFFFFF10]  }
0x69: {  	v26 =	vld [tilespmem:s20+$0xFFFFFF10]  }
0x6a: {  	[tilespmem:$0x1FEA0] =	vst v49;
	v49 =	vld [tilespmem:s20+$0xF0]  }
0x6b: {  	[tilespmem:$0x1FEC0] =	vst v51;
	v51 =	vld [tilespmem:s20+$0xD0]  }
0x6c: {  	[tilespmem:$0x1FFA0] =	vst v55;
	v55 =	vld [tilespmem:s20+$0x60]  }
0x6d: {  	[tilespmem:$0x1FF00] =	vst v58;
	v58 =	vld [tilespmem:s21+$0x40]  }
0x6e: {  	[tilespmem:$0x1FF10] =	vst v59;
	v59 =	vld [tilespmem:s20+$0x40]  }
0x6f: {  	[tilespmem:$0x1FF20] =	vst v60;
	v60 =	vld [tilespmem:s21+$0x50]  }
0x70: {  	[tilespmem:$0x1FF30] =	vst v61;
	v61 =	vld [tilespmem:s20+$0x50]  }
0x71: {  	[tilespmem:$0x1FF80] =	vst v52;
	v52 =	vld [tilespmem:s21+$0x0]  }
0x72: {  	[tilespmem:$0x1FF40] =	vst v9;
	v9 =	vld [tilespmem:s21+$0xFFFFFF70]  }
0x73: {  	[tilespmem:$0x1FF60] =	vst v11;
	v11 =	vld [tilespmem:s20+$0xFFFFFF70]  }
0x74: {  	[tilespmem:$0x1FF90] =	vst v54;
	v54 =	vld [tilespmem:s21+$0xFFFFFFA0]  }
0x75: {  	[tilespmem:$0x1FED0] =	vst v53;
	v53 =	vld [tilespmem:s20+$0xFFFFFFA0]  }
0x76: {  	[tilespmem:$0x1FFC0] =	vst v36;
	v36 =	vld [tilespmem:s21+$0xFFFFFF80]  }
0x77: {  	[tilespmem:$0x1FFB0] =	vst v35;
	v35 =	vld [tilespmem:s21+$0xFFFFFF90]  }
0x78: {  	[tilespmem:$0x1FF50] =	vst v10;
	v10 =	vld [tilespmem:s21+$0xFFFFFEF0]  }
0x79: {  	[tilespmem:$0x1FFF0] =	vst v40;
	v40 =	vld [tilespmem:s21+$0xFFFFFF40]  }
0x7a: {  	[tilespmem:$0x1FF70] =	vst v38;
	v38 =	vld [tilespmem:s20+$0xFFFFFF40]  }
0x7b: {  	[tilespmem:$0x1FFE0] =	vst v39;
	v39 =	vld [tilespmem:s21+$0xFFFFFF50]  }
0x7c: {  	[tilespmem:$0x1FFD0] =	vst v37;
	v37 =	vld [tilespmem:s20+$0xFFFFFF50]  }
0x7d: {  	[tilespmem:$0x1FEF0] =	vst v57;
	v57 =	vld [tilespmem:s21+$0xFFFFFEE0]  }
0x7e: {  	[tilespmem:$0x1FEE0] =	vst v56;
	v56 =	vld [tilespmem:s20+$0xFFFFFEE0]  }
0x7f: {  	[tilespmem:$0x1FEB0] =	vst v50;
	v50 =	vld [tilespmem:s21+$0xFFFFFF00]  }
0x80: {  	v32 =	vmul.f32 v29, v32;
	v29 =	vld [tilespmem:s21+$0xFFFFFE30]  }
0x81: {  	v31 =	vmul.f32 v31, v30;
	v30 =	vld [tilespmem:s20+$0xFFFFFE30]  }
0x82: {  	[tilespmem:$0x1FE90] =	vst v0;
	v42 =	vmul.f32 v43, v42;
	v0 =	vld [tilespmem:$0x1FF80]  }
0x83: {  	v43 =	vmul.f32 v45, v44;
	v44 =	vmul.f32 v1, v48;
	v48 =	vld [tilespmem:$0x1FF90]  }
0x84: {  	v33 =	vmul.f32 v33, v62;
	v62 =	vld [tilespmem:$0x1FFB0]  }
0x85: {  	v42 =	vadd.f32 v43, v42;
	v43 =	vld [tilespmem:s20+$0xFFFFFE80]  }
0x86: {  	v45 =	vmul.f32 v51, v2;
	v51 =	vld [tilespmem:$0x1FFA0]  }
0x87: {  	v2 =	vld [tilespmem:s21+$0xFFFFFED0]  }
0x88: {  	v58 =	vmul.f32 v59, v58;
	v59 =	vmul.f32 v46, v52;
	v46 =	vld [tilespmem:s21+$0xFFFFFE80]  }
0x89: {  	v21 =	vmul.f32 v21, v35;
	v35 =	vld [tilespmem:s20+$0xFFFFFE00]  }
0x8a: {  	v22 =	vmul.f32 v22, v36;
	v36 =	vld [tilespmem:s21+$0xFFFFFE00];
	v63 =	vmul.f32 v63, v0;
	v0 =	vadd.f32 v32, v31  }
0x8b: {  	v37 =	vmul.f32 v37, v39;
	v39 =	vld [tilespmem:s20+$0xFFFFFE10]  }
0x8c: {  	v38 =	vmul.f32 v38, v40;
	v40 =	vld [tilespmem:s20+$0xFFFFFE40];
	v0 =	vadd.f32 v63, v0;
	v63 =	vmul.f32 v51, v48  }
0x8d: {  	v31 =	vld [tilespmem:s21+$0xFFFFFEA0];
	v44 =	vadd.f32 v45, v44;
	v21 =	vadd.f32 v21, v22;
	v51 =	vmul.f32 v7, v5  }
0x8e: {  	v45 =	vld [tilespmem:s20+$0xFFFFFEC0];
	v22 =	vmul.f32 v53, v54;
	v42 =	vadd.f32 v63, v42;
	v63 =	vmul.f32 v14, v13  }
0x8f: {  	v53 =	vld [tilespmem:$0x1FFD0];
	v44 =	vadd.f32 v33, v44;
	v5 =	vmul.f32 v49, v20;
	v0 =	vadd.f32 v51, v0  }
0x90: {  	v42 =	vadd.f32 v63, v42;
	v63 =	vld [tilespmem:$0x1FFC0]  }
0x91: {  	v54 =	vld [tilespmem:$0x1FFE0];
	v49 =	vmul.f32 v55, v34;
	v55 =	vadd.f32 v5, v44;
	(xrf2) =	vadd.scan.msk.f32 $0xffff, v0  }
0x92: {  	v48 =	vld [tilespmem:s21+$0xFFFFFEC0];
	v7 =	vmul.f32 v61, v60;
	(xrf2) =	vadd.scan.msk.f32 $0xffff, v42  }
0x93: {  	v41 =	vmul.f32 v41, v47;
	v51 =	vld [tilespmem:s20+$0xFFFFFED0];
	(xrf2) =	vadd.scan.msk.f32 $0xffff, v55  }
0x94: {  	v58 =	vadd.f32 v7, v58;
	v55 =	vld [tilespmem:$0x1FFF0]  }
0x95: {  	v32 =	vld [tilespmem:s20+$0xFFFFFEA0];
	v61 =	vadd.f32 v41, v59;
	v7 =	vmul.f32 v63, v62  }
0x96: {  	v52 =	vmul.f32 v4, v3;
	v60 =	vmul.f32 v8, v6;
	v41 =	vld [tilespmem:s21+$0xFFFFFE90];
	v0 =	vadd.f32 v49, v58  }
0x97: {  	v21 =	vadd.f32 v22, v21;
	v8 =	vld [tilespmem:s20+$0xFFFFFE90];
	v22 =	vmul.f32 v53, v23;
	v49 =	vadd.f32 v7, v61  }
0x98: {  	v38 =	vadd.f32 v37, v38;
	v37 =	vld [tilespmem:s21+$0xFFFFFE10];
	v0 =	vadd.f32 v60, v0;
	v60 =	vmul.f32 v45, v48  }
0x99: {  	v33 =	vld [tilespmem:s21+$0xFFFFFE20];
	v22 =	vadd.f32 v22, v21;
	v61 =	vmul.f32 v51, v2;
	v58 =	vmul.f32 v55, v54  }
0x9a: {  	v34 =	vld [tilespmem:s20+$0xFFFFFE20];
	v44 =	vmul.f32 v43, v46;
	v62 =	vmul.f32 v11, v9;
	v59 =	vadd.f32 v52, v49  }
0x9b: {  	v43 =	vld [tilespmem:s20+$0xFFFFFE50];
	(xrf2) =	vadd.scan.msk.f32 $0xffff, v0;
	v63 =	vmul.f32 v56, v57;
	v45 =	vadd.f32 v61, v60;
	v42 =	vadd.f32 v58, v38;
	v49, _, _ =	vpop (xrf2)  }
0x9c: {  	v47 =	vmul.f32 v8, v41;
	v41 =	vld [tilespmem:s21+$0xFFFFFE50];
	(xrf2) =	vadd.scan.msk.f32 $0xffff, v59;
	v21, _, _ =	vpop (xrf2)  }
0x9d: {  	s23 =	simm.s32 $0x40;
	s22 =	simm.s32 $0x0;
	v46 =	vmul.f32 v12, v10;
	v38 =	vld [tilespmem:s21+$0xFFFFFE40];
	v45 =	vadd.f32 v63, v45;
	(xrf2) =	vadd.scan.msk.f32 $0xffff, v22;
	v42 =	vadd.f32 v62, v42;
	v22, _, _ =	vpop (xrf2)  }
.LBB2_2:
0x9e: {  	v48 =	vld [tilespmem:s21+$0xFFFFFE60]  }
0x9f: {  	v8 =	vld [tilespmem:s20+$0xFFFFFE60]  }
0xa0: {  	v10 =	vld [tilespmem:s21+$0xFFFFFE70]  }
0xa1: {  	v11 =	vld [tilespmem:s20+$0xFFFFFE70]  }
0xa2: {  	v15 =	vmul.f32 v16, v15;
	v16 =	vmul.f32 v18, v17;
	v17 =	vld [tilespmem:s20+$0xA0]  }
0xa3: {  	v0 =	vld [tilespmem:$0x1FF70]  }
0xa4: {  	v1 =	vld [tilespmem:$0x1FF40]  }
0xa5: {  	v51 =	vld [tilespmem:$0x1FF50]  }
0xa6: {  	v52 =	vld [tilespmem:$0x1FF60]  }
0xa7: {  	v12 =	vld [tilespmem:s20+$0x160]  }
0xa8: {  	v53 =	vld [tilespmem:$0x1FF20]  }
0xa9: {  	v54 =	vld [tilespmem:s20+$0x170]  }
0xaa: {  	v55 =	vld [tilespmem:$0x1FEE0]  }
0xab: {  	v56 =	vld [tilespmem:$0x1FEF0]  }
0xac: {  	v57 =	vld [tilespmem:$0x1FF00]  }
0xad: {  	v58 =	vld [tilespmem:$0x1FF10];
	v32 =	vmul.f32 v32, v31  }
0xae: {  	v59 =	vld [tilespmem:$0x1FED0];
	v35 =	vmul.f32 v35, v36;
	v7 =	vmul.f32 v39, v37  }
0xaf: {  	v61 =	vld [tilespmem:$0x1FE90];
	v44 =	vadd.f32 v47, v44;
	(xrf2) =	vadd.scan.msk.f32 $0xffff, v42;
	v27 =	vmul.f32 v28, v27;
	v33 =	vmul.f32 v34, v33  }
0xb0: {  	v9 =	vadd.f32 v46, v45;
	v47 =	vld [tilespmem:s20+$0xFFFFFF30];
	v40 =	vmul.f32 v40, v38;
	v43 =	vmul.f32 v43, v41  }
0xb1: {  	v29 =	vmul.f32 v30, v29;
	v32 =	vadd.f32 v32, v44;
	v28 =	vadd.f32 v7, v35;
	v44 =	vld [tilespmem:s20+$0xFFFFFF20]  }
0xb2: {  	v30 =	vld [tilespmem:s21+$0xFFFFFF30];
	v23 =	vmul.f32 v24, v50;
	v24 =	vmul.f32 v26, v25;
	v31, _, _ =	vpop (xrf2);
	(xrf2) =	vadd.scan.msk.f32 $0xffff, v9;
	v45 =	vadd.f32 v43, v40  }
0xb3: {  	v25 =	vld [tilespmem:s20+$0xFFFFFFE0];
	v46 =	vmul.f32 v8, v48;
	v27 =	vadd.f32 v27, v32;
	v28 =	vadd.f32 v33, v28  }
0xb4: {  	v50 =	vld [tilespmem:$0x1FF30]  }
0xb5: {  	v48 =	vld [tilespmem:s21+$0xFFFFFFF0];
	v38, _, _ =	vpop (xrf2);
	(xrf2) =	vadd.scan.msk.f32 $0xffff, v27;
	v27 =	vadd.f32 v29, v28;
	v28 =	vadd.f32 v46, v45;
	v29 =	vmul.f32 v11, v10  }
0xb6: {  	v23 =	vadd.f32 v24, v23;
	v24 =	vld [tilespmem:s20+$0xFFFFFFF0];
	v20 =	vmul.f32 v44, v19  }
0xb7: {  	v62 =	vld [tilespmem:$0x1FEA0];
	v26, _, _ =	vpop (xrf2);
	(xrf2) =	vadd.scan.msk.f32 $0xffff, v27;
	v27 =	vadd.f32 v29, v28  }
0xb8: {  	v15 =	vadd.f32 v16, v15;
	v16 =	vld [tilespmem:s20+$0xB0];
	v20 =	vadd.f32 v20, v23;
	v23 =	vmul.f32 v47, v30  }
0xb9: {  	v14 =	vmul.f32 v25, v0;
	v18, _, _ =	vpop (xrf2);
	v28 =	vld [tilespmem:s21+$0xB0];
	(xrf2) =	vadd.scan.msk.f32 $0xffff, v27  }
0xba: {  	v34 =	vld [tilespmem:$0x1FEC0];
	v10 =	vmul.f32 v1, v50;
	v11 =	vmul.f32 v52, v51;
	v20 =	vadd.f32 v23, v20  }
0xbb: {  	v33 =	vld [tilespmem:$0x1FEB0];
	v14 =	vadd.f32 v14, v15;
	v15 =	vmul.f32 v24, v48  }
0xbc: {  	v9 =	vmul.f32 v17, v53;
	v10 =	vadd.f32 v11, v10;
	v13, _, _ =	vpop (xrf2);
	v23 =	vld [tilespmem:s21+$0x170];
	(xrf2) =	vadd.scan.msk.f32 $0xffff, v20  }
0xbd: {  	v5 =	vmul.f32 v56, v55;
	v6 =	vmul.f32 v58, v57;
	v7 =	vld [tilespmem:s21+$0x1E0];
	v14 =	vadd.f32 v15, v14  }
0xbe: {  	v15 =	vld [tilespmem:s20+$0x1E0];
	v9 =	vadd.f32 v9, v10;
	v16 =	vmul.f32 v16, v28  }
0xbf: {  	v60 =	vld [tilespmem:s21+$0x1F0];
	v4 =	vmul.f32 v12, v59;
	v5 =	vadd.f32 v6, v5;
	v8, _, _ =	vpop (xrf2);
	(xrf2) =	vadd.scan.msk.f32 $0xffff, v14  }
0xc0: {  	v3 =	vld [tilespmem:s20+$0x1F0];
	v2 =	vmul.f32 v62, v61;
	v9 =	vadd.f32 v16, v9  }
0xc1: {  	v12 =	vadd.f32 v4, v5;
	v0 =	vmul.f32 v34, v33;
	v32 =	vmul.f32 v54, v23  }
0xc2: {  	v63, _, _ =	vpop (xrf2);
	(xrf2) =	vadd.scan.msk.f32 $0xffff, v9  }
0xc3: {  	v0 =	vadd.f32 v0, v2;
	v36 =	vmul.f32 v15, v7;
	v35 =	vadd.f32 v32, v12;
	v37, _, _ =	vpop (xrf2)  }
0xc4: {  	v39 =	vbroadcast v63, $0xF;
	v40 =	vbroadcast v37, $0xF  }
0xc5: {  	v42 =	vmul.f32 v3, v60;
	v0 =	vadd.f32 v36, v0;
	v41 =	vbroadcast v8, $0xF;
	(xrf2) =	vadd.scan.msk.f32 $0xffff, v35  }
0xc6: {  	v44 =	vbroadcast v13, $0xF;
	v43 =	vsel vm0, v39, v40;
	v45, _, _ =	vpop (xrf2)  }
0xc7: {  	v0 =	vadd.f32 v42, v0;
	v1 =	vsel vm1, v43, v41;
	v46 =	vbroadcast v45, $0xF  }
0xc8: {  	v47 =	vbroadcast v18, $0xF;
	v1 =	vsel vm2, v1, v44  }
0xc9: {  	v48 =	vbroadcast v26, $0xF;
	v1 =	vsel vm3, v1, v46;
	v50, _, _ =	vpop (xrf2);
	(xrf2) =	vadd.scan.msk.f32 $0xffff, v0  }
0xca: {  	v51 =	vsel vm4, v1, v47;
	v52 =	vbroadcast v50, $0xF  }
0xcb: {  	v53 =	vbroadcast v38, $0xF;
	v0 =	vsel vm5, v51, v48  }
0xcc: {  	v54 =	vbroadcast v31, $0xF;
	v55, _, _ =	vpop (xrf2);
	v0 =	vsel vm6, v0, v52  }
0xcd: {  	v56 =	vbroadcast v55, $0xF;
	v0 =	vsel vm7, v0, v53  }
0xce: {  	v57 =	vbroadcast v22, $0xF;
	v0 =	vsel vm8, v0, v54  }
0xcf: {  	s24 =	sshra.s32 s22, $0x2;
	v58 =	vbroadcast v21, $0xF;
	v59, _, _ =	vpop (xrf2);
	v0 =	vsel vm9, v0, v56  }
0xd0: {  	v61 =	vld [tilespmem:s24+$0x10400];
	v60 =	vbroadcast v59, $0xF;
	v0 =	vsel vm10, v0, v57  }
0xd1: {  	v62 =	vbroadcast v49, $0xF;
	v0 =	vsel vm11, v0, v58  }
0xd2: {  	v63 =	vld [tilespmem:s24+$0x10600];
	v0 =	vsel vm12, v0, v60  }
0xd3: {  	v0 =	vsel vm13, v0, v62;
	v5, _, _ =	vpop (xrf2)  }
0xd4: {  	v0 =	vsel vm14, v0, v5  }
0xd5: {  	v0 =	vadd.f32 v0, v61;
	_ =	sdelay $0x1  }
0xd6: {  	v0 =	vadd.f32 v0, v63;
	_ =	sdelay $0x1  }
0xd7: {  	s21 =	sadd.s32 $0x400, s21;
	[tilespmem:s24+$0x10800] =	vst v0  }
0xd8: {  	s20 =	sadd.s32 $0x400, s20;
	v0 =	vld [tilespmem:s21+$0x1B0]  }
0xd9: {  	v21 =	vld [tilespmem:s20+$0x1B0]  }
0xda: {  	v6 =	vld [tilespmem:s21+$0x1C0]  }
0xdb: {  	v7 =	vld [tilespmem:s20+$0x1C0]  }
0xdc: {  	v8 =	vld [tilespmem:s21+$0x1D0]  }
0xdd: {  	v9 =	vld [tilespmem:s20+$0x1D0]  }
0xde: {  	v26 =	vld [tilespmem:s21+$0x1A0]  }
0xdf: {  	v29 =	vld [tilespmem:s20+$0x1A0]  }
0xe0: {  	v33 =	vld [tilespmem:s21+$0x130]  }
0xe1: {  	v35 =	vld [tilespmem:s20+$0x130]  }
0xe2: {  	v10 =	vld [tilespmem:s21+$0x160]  }
0xe3: {  	v24 =	vld [tilespmem:s21+$0x180]  }
0xe4: {  	v25 =	vld [tilespmem:s20+$0x180]  }
0xe5: {  	v30 =	vld [tilespmem:s21+$0x190]  }
0xe6: {  	v47 =	vld [tilespmem:s20+$0x190]  }
0xe7: {  	v22 =	vld [tilespmem:s21+$0xF0]  }
0xe8: {  	v34 =	vld [tilespmem:s20+$0xF0]  }
0xe9: {  	v31 =	vld [tilespmem:s21+$0x120]  }
0xea: {  	v32 =	vld [tilespmem:s20+$0x120]  }
0xeb: {  	v11 =	vld [tilespmem:s21+$0x140]  }
0xec: {  	v36 =	vld [tilespmem:s20+$0x140]  }
0xed: {  	v37 =	vld [tilespmem:s21+$0x150]  }
0xee: {  	v38 =	vld [tilespmem:s20+$0x150]  }
0xef: {  	v41 =	vld [tilespmem:s21+$0xE0]  }
0xf0: {  	v44 =	vld [tilespmem:s20+$0xE0]  }
0xf1: {  	v53 =	vld [tilespmem:s21+$0x100]  }
0xf2: {  	v54 =	vld [tilespmem:s20+$0x100]  }
0xf3: {  	v55 =	vld [tilespmem:s21+$0x110]  }
0xf4: {  	v56 =	vld [tilespmem:s20+$0x110]  }
0xf5: {  	v39 =	vld [tilespmem:s21+$0x70]  }
0xf6: {  	v40 =	vld [tilespmem:s21+$0xA0]  }
0xf7: {  	v57 =	vld [tilespmem:s21+$0xC0]  }
0xf8: {  	v58 =	vld [tilespmem:s20+$0xC0]  }
0xf9: {  	v59 =	vld [tilespmem:s21+$0xD0]  }
0xfa: {  	v60 =	vld [tilespmem:s20+$0xD0]  }
0xfb: {  	v42 =	vld [tilespmem:s21+$0x30]  }
0xfc: {  	v51 =	vld [tilespmem:s21+$0x60]  }
0xfd: {  	v52 =	vld [tilespmem:s20+$0x60]  }
0xfe: {  	v43 =	vld [tilespmem:s21+$0x80]  }
0xff: {  	v45 =	vld [tilespmem:s20+$0x80]  }
0x100: {  	v46 =	vld [tilespmem:s21+$0x90]  }
0x101: {  	v48 =	vld [tilespmem:s20+$0x90]  }
0x102: {  	v61 =	vld [tilespmem:s21+$0x40]  }
0x103: {  	v62 =	vld [tilespmem:s20+$0x40]  }
0x104: {  	v63 =	vld [tilespmem:s21+$0x50]  }
0x105: {  	v49 =	vld [tilespmem:s21+$0xFFFFFFE0]  }
0x106: {  	v1 =	vld [tilespmem:s21+$0x0]  }
0x107: {  	v2 =	vld [tilespmem:s20+$0x0]  }
0x108: {  	v3 =	vld [tilespmem:s21+$0x10]  }
0x109: {  	v4 =	vld [tilespmem:s20+$0x10]  }
0x10a: {  	v50 =	vld [tilespmem:s21+$0xFFFFFF70]  }
0x10b: {  	v5 =	vld [tilespmem:s21+$0xFFFFFFA0]  }
0x10c: {  	v23 =	vld [tilespmem:s20+$0xFFFFFFC0]  }
0x10d: {  	v12 =	vld [tilespmem:s20+$0xFFFFFF90]  }
0x10e: {  	v13 =	vld [tilespmem:s21+$0xFFFFFEF0]  }
0x10f: {  	v19 =	vld [tilespmem:s21+$0xFFFFFF20]  }
0x110: {  	v14 =	vld [tilespmem:s20+$0xFFFFFF40]  }
0x111: {  	v15 =	vld [tilespmem:s21+$0xFFFFFF50]  }
0x112: {  	v16 =	vld [tilespmem:s20+$0xFFFFFF50]  }
0x113: {  	v27 =	vld [tilespmem:s21+$0xFFFFFEB0]  }
0x114: {  	v28 =	vld [tilespmem:s20+$0xFFFFFEB0]  }
0x115: {  	v17 =	vld [tilespmem:s21+$0xFFFFFEE0]  }
0x116: {  	v18 =	vld [tilespmem:s20+$0xFFFFFEE0]  }
0x117: {  	[tilespmem:$0x1FE50] =	vst v39;
	v39 =	vld [tilespmem:s20+$0x70]  }
0x118: {  	[tilespmem:$0x1FF10] =	vst v38;
	v38 =	vld [tilespmem:s20+$0x30]  }
0x119: {  	[tilespmem:$0x1FF60] =	vst v48;
	v48 =	vld [tilespmem:s21+$0x20]  }
0x11a: {  	[tilespmem:$0x1FEF0] =	vst v36;
	v36 =	vld [tilespmem:s20+$0x20]  }
0x11b: {  	[tilespmem:$0x1FE40] =	vst v0;
	v0 =	vld [tilespmem:s20+$0x50]  }
0x11c: {  	[tilespmem:$0x1FF00] =	vst v37;
	v37 =	vld [tilespmem:s21+$0xFFFFFFB0]  }
0x11d: {  	[tilespmem:$0x1FF40] =	vst v45;
	v45 =	vld [tilespmem:s20+$0xFFFFFFB0]  }
0x11e: {  	[tilespmem:$0x1FF20] =	vst v40;
	v40 =	vld [tilespmem:s20+$0xFFFFFF70]  }
0x11f: {  	[tilespmem:$0x1FE90] =	vst v6;
	v6 =	vld [tilespmem:s20+$0xFFFFFFA0]  }
0x120: {  	[tilespmem:$0x1FF70] =	vst v49;
	v49 =	vld [tilespmem:s21+$0xFFFFFFC0]  }
0x121: {  	[tilespmem:$0x1FF30] =	vst v43;
	v43 =	vld [tilespmem:s21+$0xFFFFFFD0]  }
0x122: {  	[tilespmem:$0x1FE60] =	vst v42;
	v42 =	vld [tilespmem:s20+$0xFFFFFFD0]  }
0x123: {  	[tilespmem:$0x1FEA0] =	vst v7;
	v7 =	vld [tilespmem:s21+$0xFFFFFF60]  }
0x124: {  	[tilespmem:$0x1FEB0] =	vst v8;
	v8 =	vld [tilespmem:s20+$0xFFFFFF60]  }
0x125: {  	[tilespmem:$0x1FEC0] =	vst v9;
	v9 =	vld [tilespmem:s21+$0xFFFFFF80]  }
0x126: {  	[tilespmem:$0x1FED0] =	vst v10;
	v10 =	vld [tilespmem:s20+$0xFFFFFF80]  }
0x127: {  	[tilespmem:$0x1FEE0] =	vst v11;
	v11 =	vld [tilespmem:s21+$0xFFFFFF90]  }
0x128: {  	[tilespmem:$0x1FF50] =	vst v46;
	v46 =	vld [tilespmem:s20+$0xFFFFFEF0]  }
0x129: {  	[tilespmem:$0x1FE80] =	vst v13;
	v13 =	vld [tilespmem:s21+$0xFFFFFF40]  }
0x12a: {  	[tilespmem:$0x1FE70] =	vst v50;
	v50 =	vld [tilespmem:s21+$0xFFFFFF00]  }
0x12b: {  	v20 =	vmul.f32 v25, v24;
	v24 =	vld [tilespmem:s20+$0xFFFFFF00]  }
0x12c: {  	v30 =	vmul.f32 v47, v30;
	v25 =	vld [tilespmem:s21+$0xFFFFFF10]  }
0x12d: {  	v47 =	vmul.f32 v54, v53;
	v53 =	vmul.f32 v32, v31;
	v31 =	vld [tilespmem:s21+$0xFFFFFEA0]  }
0x12e: {  	v32 =	vld [tilespmem:s20+$0xFFFFFEA0]  }
0x12f: {  	v58 =	vmul.f32 v58, v57;
	v57 =	vmul.f32 v60, v59;
	v60 =	vld [tilespmem:s20+$0xFFFFFED0]  }
0x130: {  	v22 =	vmul.f32 v34, v22;
	v34 =	vld [tilespmem:s20+$0xFFFFFE20];
	v20 =	vadd.f32 v30, v20;
	v30 =	vmul.f32 v29, v26  }
0x131: {  	v41 =	vmul.f32 v44, v41;
	v44 =	vld [tilespmem:s20+$0xFFFFFE80]  }
0x132: {  	v20 =	vadd.f32 v30, v20;
	v30 =	vld [tilespmem:$0x1FE40]  }
0x133: {  	v59 =	vmul.f32 v62, v61;
	v61 =	vmul.f32 v52, v51;
	v52 =	vld [tilespmem:s20+$0xFFFFFE90]  }
0x134: {  	v51 =	vld [tilespmem:$0x1FE60];
	v58 =	vadd.f32 v57, v58  }
0x135: {  	v56 =	vmul.f32 v56, v55;
	v26 =	vld [tilespmem:s20+$0xFFFFFF10]  }
0x136: {  	v33 =	vmul.f32 v35, v33;
	v29 =	vld [tilespmem:s21+$0xFFFFFE30];
	v35 =	vadd.f32 v41, v58  }
0x137: {  	v47 =	vadd.f32 v56, v47;
	v41 =	vld [tilespmem:s21+$0xFFFFFE50];
	v21 =	vmul.f32 v21, v30  }
0x138: {  	v0 =	vmul.f32 v0, v63;
	v57 =	vmul.f32 v45, v37;
	v37 =	vld [tilespmem:s21+$0xFFFFFE10];
	v63 =	vadd.f32 v22, v35  }
0x139: {  	v35 =	vld [tilespmem:$0x1FE50];
	v20 =	vadd.f32 v21, v20;
	v21 =	vadd.f32 v53, v47  }
0x13a: {  	v1 =	vmul.f32 v2, v1;
	v22 =	vld [tilespmem:s21+$0xFFFFFE80]  }
0x13b: {  	v62 =	vmul.f32 v4, v3;
	v2 =	vmul.f32 v38, v51;
	v38 =	vld [tilespmem:s21+$0xFFFFFE40];
	v21 =	vadd.f32 v33, v21  }
0x13c: {  	v47 =	vld [tilespmem:s21+$0xFFFFFEC0];
	(xrf2) =	vadd.scan.msk.f32 $0xffff, v20  }
0x13d: {  	v1 =	vadd.f32 v62, v1;
	v9 =	vmul.f32 v10, v9;
	v62 =	vmul.f32 v12, v11;
	v20 =	vld [tilespmem:s20+$0xFFFFFEC0];
	(xrf2) =	vadd.scan.msk.f32 $0xffff, v21  }
0x13e: {  	v0 =	vadd.f32 v0, v59;
	(xrf2) =	vadd.scan.msk.f32 $0xffff, v63;
	v63 =	vld [tilespmem:s21+$0xFFFFFE90]  }
0x13f: {  	v55 =	vmul.f32 v16, v15;
	v9 =	vadd.f32 v62, v9;
	v62 =	vmul.f32 v18, v17;
	v53 =	vld [tilespmem:s21+$0xFFFFFED0]  }
0x140: {  	v17 =	vmovc v43;
	v43 =	vld [tilespmem:s20+$0xFFFFFE50];
	v0 =	vadd.f32 v61, v0;
	v4 =	vmul.f32 v39, v35;
	v39 =	vmul.f32 v36, v48  }
0x141: {  	v5 =	vmul.f32 v6, v5;
	v54 =	vmul.f32 v14, v13;
	v61 =	vld [tilespmem:$0x1FE70]  }
0x142: {  	v58 =	vmul.f32 v8, v7;
	v30 =	vld [tilespmem:s20+$0xFFFFFE30];
	v0 =	vadd.f32 v4, v0;
	v1 =	vadd.f32 v39, v1  }
0x143: {  	p0 =	sne.s32 s23, $0x7C0;
	v56 =	vadd.f32 v5, v9;
	v59 =	vmul.f32 v20, v47;
	v47 =	vmul.f32 v52, v63;
	v63 =	vld [tilespmem:$0x1FE80]  }
.Ltmp0:
0x144: {  	v35 =	vld [tilespmem:s20+$0xFFFFFE00];
	v1 =	vadd.f32 v2, v1;
	v60 =	vmul.f32 v60, v53;
	(xrf2) =	vadd.scan.msk.f32 $0xffff, v0;
	v0 =	vadd.f32 v55, v54;
	(pc) =	sbr.rel @p0 .LBB2_2-.Ltmp0, $4  }
0x145: {  	v15 =	vmov v49;
	v36 =	vld [tilespmem:s21+$0xFFFFFE00];
	v2 =	vadd.f32 v57, v56  }
0x146: {  	v33 =	vld [tilespmem:s21+$0xFFFFFE20];
	v5 =	vmul.f32 v40, v61;
	v0 =	vadd.f32 v58, v0;
	v49, _, _ =	vpop (xrf2);
	(xrf2) =	vadd.scan.msk.f32 $0xffff, v1;
	v1 =	vadd.f32 v60, v59  }
0x147: {  	v16 =	vmov v23;
	v18 =	vmov v42;
	v44 =	vmul.f32 v44, v22;
	v39 =	vld [tilespmem:s20+$0xFFFFFE10];
	v21, _, _ =	vpop (xrf2)  }
0x148: {  	s22 =	smov.u32 s23;
	s23 =	sadd.s32 $0x40, s23;
	v40 =	vld [tilespmem:s20+$0xFFFFFE40];
	v42 =	vadd.f32 v5, v0;
	(xrf2) =	vadd.scan.msk.f32 $0xffff, v2;
	v45 =	vadd.f32 v62, v1;
	v22, _, _ =	vpop (xrf2);
	v46 =	vmul.f32 v46, v63  }
0x149: {  	v0 =	vld [tilespmem:s21+$0xFFFFFE60]  }
0x14a: {  	v1 =	vld [tilespmem:s20+$0xFFFFFE60]  }
0x14b: {  	v4 =	vld [tilespmem:s21+$0xFFFFFE70]  }
0x14c: {  	v8 =	vld [tilespmem:s20+$0xFFFFFE70]  }
0x14d: {  	v10 =	vld [tilespmem:s20+$0xFFFFFF20]  }
0x14e: {  	v12 =	vld [tilespmem:s21+$0xFFFFFF30]  }
0x14f: {  	v14 =	vld [tilespmem:s20+$0xFFFFFFE0]  }
0x150: {  	v9 =	vmul.f32 v43, v41;
	v41 =	vld [tilespmem:s21+$0xFFFFFFF0]  }
0x151: {  	v43 =	vld [tilespmem:s20+$0xFFFFFFF0]  }
0x152: {  	v48 =	vld [tilespmem:s21+$0xB0]  }
0x153: {  	v51 =	vld [tilespmem:s20+$0xB0]  }
0x154: {  	v53 =	vld [tilespmem:$0x1FF30]  }
0x155: {  	v54 =	vld [tilespmem:$0x1FF40]  }
0x156: {  	v55 =	vld [tilespmem:$0x1FF50]  }
0x157: {  	v56 =	vld [tilespmem:$0x1FF60]  }
0x158: {  	v57 =	vld [tilespmem:s20+$0x160]  }
0x159: {  	v59 =	vld [tilespmem:s21+$0x170]  }
0x15a: {  	v3 =	vmul.f32 v32, v31;
	v11 =	vmul.f32 v28, v27;
	v61 =	vld [tilespmem:$0x1FF20]  }
0x15b: {  	v62 =	vld [tilespmem:s20+$0x170];
	v5 =	vmul.f32 v35, v36;
	v6 =	vmul.f32 v39, v37  }
0x15c: {  	v2 =	vadd.f32 v47, v44;
	v13 =	vmul.f32 v30, v29;
	v20 =	vld [tilespmem:$0x1FF00];
	v35 =	vmul.f32 v40, v38  }
0x15d: {  	v23 =	vld [tilespmem:$0x1FF10];
	v7 =	vadd.f32 v46, v45;
	v36 =	vmul.f32 v34, v33;
	v5 =	vadd.f32 v6, v5  }
0x15e: {  	v2 =	vadd.f32 v3, v2;
	v37 =	vld [tilespmem:s20+$0xFFFFFF30];
	v0 =	vmul.f32 v1, v0;
	v3 =	vadd.f32 v9, v35  }
0x15f: {  	v39 =	vmul.f32 v26, v25;
	v38 =	vmul.f32 v24, v50;
	v50 =	vld [tilespmem:$0x1FF70];
	v5 =	vadd.f32 v36, v5  }
0x160: {  	v29 =	vld [tilespmem:$0x1FED0];
	(xrf2) =	vadd.scan.msk.f32 $0xffff, v42;
	v2 =	vadd.f32 v11, v2;
	v40 =	vmul.f32 v8, v4;
	v0 =	vadd.f32 v0, v3  }
0x161: {  	v46 =	vld [tilespmem:s20+$0xA0];
	(xrf2) =	vadd.scan.msk.f32 $0xffff, v7;
	v42 =	vmul.f32 v10, v19;
	v6 =	vadd.f32 v39, v38;
	v5 =	vadd.f32 v13, v5  }
0x162: {  	v44 =	vmul.f32 v16, v15;
	v45 =	vmul.f32 v18, v17;
	v18 =	vld [tilespmem:$0x1FEE0];
	(xrf2) =	vadd.scan.msk.f32 $0xffff, v2;
	v0 =	vadd.f32 v40, v0  }
0x163: {  	v19 =	vld [tilespmem:$0x1FEF0];
	v47 =	vadd.f32 v42, v6;
	v1 =	vmul.f32 v37, v12;
	(xrf2) =	vadd.scan.msk.f32 $0xffff, v5  }
0x164: {  	v32 =	vld [tilespmem:$0x1FE90];
	v2 =	vadd.f32 v45, v44;
	v3 =	vmul.f32 v14, v50;
	(xrf2) =	vadd.scan.msk.f32 $0xffff, v0  }
0x165: {  	v33 =	vld [tilespmem:$0x1FEA0];
	v52 =	vadd.f32 v1, v47;
	v1 =	vmul.f32 v54, v53;
	v5 =	vmul.f32 v56, v55  }
0x166: {  	v58 =	vmul.f32 v43, v41;
	v36 =	vld [tilespmem:$0x1FEB0];
	v2 =	vadd.f32 v3, v2  }
0x167: {  	v60, _, _ =	vpop (xrf2);
	v37 =	vld [tilespmem:$0x1FEC0];
	v1 =	vadd.f32 v5, v1;
	v5 =	vmul.f32 v46, v61;
	(xrf2) =	vadd.scan.msk.f32 $0xffff, v52  }
0x168: {  	v27 =	vld [tilespmem:s20+$0x1E0];
	v11 =	vmul.f32 v23, v20;
	v63, _, _ =	vpop (xrf2);
	v3 =	vmul.f32 v19, v18;
	v2 =	vadd.f32 v58, v2  }
0x169: {  	v24 =	vld [tilespmem:s21+$0x1E0];
	v26 =	vmul.f32 v51, v48;
	v25, _, _ =	vpop (xrf2);
	v1 =	vadd.f32 v5, v1  }
0x16a: {  	v30 =	vld [tilespmem:s21+$0x1F0];
	v10 =	vmul.f32 v57, v29;
	v28, _, _ =	vpop (xrf2);
	v3 =	vadd.f32 v11, v3;
	(xrf2) =	vadd.scan.msk.f32 $0xffff, v2  }
0x16b: {  	v34 =	vld [tilespmem:s20+$0x1F0];
	v4 =	vmul.f32 v62, v59;
	v31, _, _ =	vpop (xrf2);
	v1 =	vadd.f32 v26, v1  }
0x16c: {  	v9 =	vmul.f32 v37, v36;
	v5 =	vmul.f32 v33, v32;
	v3 =	vadd.f32 v10, v3;
	v35, _, _ =	vpop (xrf2)  }
0x16d: {  	(xrf2) =	vadd.scan.msk.f32 $0xffff, v1;
	v38, _, _ =	vpop (xrf2)  }
0x16e: {  	v41 =	vmul.f32 v27, v24;
	v39 =	vadd.f32 v4, v3;
	v40 =	vadd.f32 v9, v5;
	v42, _, _ =	vpop (xrf2)  }
0x16f: {  	v43 =	vbroadcast v38, $0xF;
	v5 =	vbroadcast v42, $0xF  }
0x170: {  	v45 =	vmul.f32 v34, v30;
	v44 =	vbroadcast v35, $0xF;
	v3 =	vadd.f32 v41, v40;
	(xrf2) =	vadd.scan.msk.f32 $0xffff, v39  }
0x171: {  	v2 =	vbroadcast v31, $0xF;
	v47, _, _ =	vpop (xrf2);
	v46 =	vsel vm0, v43, v5  }
0x172: {  	v3 =	vadd.f32 v45, v3;
	v5 =	vbroadcast v47, $0xF;
	v1 =	vsel vm1, v46, v44  }
0x173: {  	v48 =	vbroadcast v28, $0xF;
	v1 =	vsel vm2, v1, v2  }
0x174: {  	v50 =	vbroadcast v25, $0xF;
	(xrf2) =	vadd.scan.msk.f32 $0xffff, v3;
	v51, _, _ =	vpop (xrf2);
	v1 =	vsel vm3, v1, v5  }
0x175: {  	v52 =	vbroadcast v51, $0xF;
	v1 =	vsel vm4, v1, v48  }
0x176: {  	v0 =	vbroadcast v63, $0xF;
	v1 =	vsel vm5, v1, v50  }
0x177: {  	v53 =	vbroadcast v60, $0xF;
	v54, _, _ =	vpop (xrf2);
	v1 =	vsel vm6, v1, v52  }
0x178: {  	v55 =	vbroadcast v54, $0xF;
	v0 =	vsel vm7, v1, v0  }
0x179: {  	v56 =	vbroadcast v22, $0xF;
	v0 =	vsel vm8, v0, v53  }
0x17a: {  	s31 =	sshra.s32 s22, $0x2;
	v57 =	vbroadcast v21, $0xF;
	v58, _, _ =	vpop (xrf2);
	v0 =	vsel vm9, v0, v55  }
0x17b: {  	v60 =	vld [tilespmem:s31+$0x10400];
	v59 =	vbroadcast v58, $0xF;
	v0 =	vsel vm10, v0, v56  }
0x17c: {  	v61 =	vbroadcast v49, $0xF;
	v0 =	vsel vm11, v0, v57  }
0x17d: {  	v62 =	vld [tilespmem:s31+$0x10600];
	v0 =	vsel vm12, v0, v59  }
0x17e: {  	v63, _, _ =	vpop (xrf2);
	v0 =	vsel vm13, v0, v61  }
0x17f: {  	v0 =	vsel vm14, v0, v63  }
0x180: {  	v0 =	vadd.f32 v0, v60;
	_ =	sdelay $0x1  }
0x181: {  	s19 =	sadd.s32 $0x1, s19;
	v0 =	vadd.f32 v0, v62  }
0x182: {  	p0 =	sne.s32 s19, s10  }
.Ltmp1:
0x183: {  	[tilespmem:s31+$0x10800] =	vst v0;
	(pc) =	sbr.rel @p0 .LBB2_1-.Ltmp1, $4  }
0x184: {  	[hbm4b:s9+s2] =	stream.linear.scatter [tilespmem:s18], [sflag:$0x2], $0x200, $0x38;
	[tilespmem:$0x10A00] =	vst v63  }
0x185: {  	_ =	swait.ge [sflag:s11], $0x200  }
0x186: {  	[sflag:s11] =	ssyncset.done $0x0  }
0x187: {  	[sflag:s11] =	ssyncadd.s32 $0xFFFFFE00  }
0x188: {  	_ =	sfence.sel $0x180000  }
0x189: {  	[bflag:$0x0] =	sbarrier.arrive $0xFFFF  }
0x18a: {  	p0 =	sne.s32 s3, $0x0;
	_ =	strace $0x90000047  }
0x18b: {  	s0 =	sadd.s32 @!p0 $0x100000, s0;
	[bflag:$0x2] =	sbarrier.arrive $0xFFFF  }
0x18c: {  	[sflag:s0] =	ssyncadd.tile.s32 @!p0 $0x1;
	_ =	shalt  }
.Lfunc_end2:
_tile_overlayer_lowered:
.L_overlay_start_2:
0x18d: {  	(tag) =	ssettag $0x2  }
0x18e: {  	s0 =	rddreg [dreg:$0x0];
	s2 =	stileid.u32  }
0x18f: {  	s1 =	rddreg [dreg:$0x1];
	p0 =	sne.s32 s2, $0x0  }
0x190: {  	s3 =	rddreg [dreg:$0x2];
	[bflag:$0x3] =	sbarrier.arrive $0xFFFF;
	s2 =	simm.s32 @!p0 $0x1C02  }
0x191: {  	[timem:s3], [sflag:s2] =	dma.local @!p0 [hbm:s0], s1  }
0x192: {  	s0 =	simm.s32 @!p0 $0x2  }
0x193: {  	_ =	swait.ge @!p0 [sflag:s0], s1  }
0x194: {  	s1 =	ssub.s32 @!p0 $0x0, s1;
	[sflag:s0] =	ssyncset.done @!p0 $0x0  }
0x195: {  	[sflag:s0] =	ssyncadd.s32 @!p0 s1  }
0x196: {  	[bflag:$0x3] =	sbarrier.arrive $0xFFFF  }
0x197: {  	_ =	shalt  }

</sc_bundles>
